<compile_context>
chip_gen: v7x
topology: tpu7x:2x2x1
jax: 0.10.2.dev20260603
libtpu: 0.0.44.dev20260713+nightly
codegen_flags: <defaults>
</compile_context>

<pallas_src>
import functools

import jax
import jax.numpy as jnp
from jax import lax
from jax.experimental import pallas as pl
from jax.experimental.pallas import tpu as pltpu

_B, _C, _H, _W = 1, 64, 128, 128
_G = 8
_N = 9
_TOPK = 2
_HW = _H * _W
_PAD = 256


_TPX = 2048
_NT = _HW // _TPX


def _conv_body(xpad_ref, w_ref, b_ref, out_ref, *, lrelu):
    i = pl.program_id(0)
    base = _PAD + i * _TPX
    col = lax.broadcasted_iota(jnp.int32, (_TPX, 1), 0) % _W
    acc = jnp.zeros_like(out_ref)
    t = 0
    for dy in (-1, 0, 1):
        for dx in (-1, 0, 1):
            s = dy * _W + dx
            xs = xpad_ref[pl.ds(base + s, _TPX), :]
            if dx == -1:
                xs = jnp.where(col == 0, 0.0, xs)
            elif dx == 1:
                xs = jnp.where(col == _W - 1, 0.0, xs)
            acc = acc + jnp.dot(xs, w_ref[t],
                                preferred_element_type=jnp.float32)
            t += 1
    acc = acc + b_ref[0:1, :]
    if lrelu:
        acc = jnp.where(acc >= 0, acc, 0.1 * acc)
    out_ref[...] = acc


def _conv_layer(xpad, w, b, cout, lrelu):
    cin = xpad.shape[1]
    return pl.pallas_call(
        functools.partial(_conv_body, lrelu=lrelu),
        grid=(_NT,),
        in_specs=[
            pl.BlockSpec((_HW + 2 * _PAD, cin), lambda i: (0, 0)),
            pl.BlockSpec((_N, cin, cout), lambda i: (0, 0, 0)),
            pl.BlockSpec((1, cout), lambda i: (0, 0)),
        ],
        out_specs=pl.BlockSpec((_TPX, cout), lambda i: (i, 0)),
        out_shape=jax.ShapeDtypeStruct((_HW, cout), jnp.float32),
    )(xpad, w, b.reshape(1, -1))


def _pad_rows(x):
    return jnp.pad(x, ((_PAD, _PAD), (0, 0)))


def _offsets_tc(query, key, W1, b1, W2, b2, Wo, bo):
    qk = jnp.concatenate([query[0], key[0]], axis=0).reshape(128, _HW).T
    w1 = W1.transpose(2, 3, 1, 0).reshape(_N, 2 * _C, _C)
    w2 = W2.transpose(2, 3, 1, 0).reshape(_N, _C, _C)
    wo = Wo.transpose(2, 3, 1, 0).reshape(_N, _C, 2 * _G * _N)
    y1 = _conv_layer(_pad_rows(qk), w1, b1, _C, True)
    y2 = _conv_layer(_pad_rows(y1), w2, b2, _C, True)
    out = _conv_layer(_pad_rows(y2), wo, bo, 2 * _G * _N, False)
    return out


def _bilinear_sample(img, off):
    b = 1
    cg = _C // _G
    ky, kx = jnp.meshgrid(jnp.arange(-1, 2), jnp.arange(-1, 2), indexing='ij')
    ky = ky.reshape(_N).astype(jnp.float32)
    kx = kx.reshape(_N).astype(jnp.float32)
    yy, xx = jnp.meshgrid(jnp.arange(_H, dtype=jnp.float32),
                          jnp.arange(_W, dtype=jnp.float32), indexing='ij')
    sy = yy[None, None, None] + ky[None, None, :, None, None] + off[:, :, :, 0]
    sx = xx[None, None, None] + kx[None, None, :, None, None] + off[:, :, :, 1]
    y0 = jnp.floor(sy)
    x0 = jnp.floor(sx)
    wy1 = sy - y0
    wx1 = sx - x0
    wy0 = 1.0 - wy1
    wx0 = 1.0 - wx1
    y0i = jnp.clip(y0.astype(jnp.int32), 0, _H - 1)
    y1i = jnp.clip(y0.astype(jnp.int32) + 1, 0, _H - 1)
    x0i = jnp.clip(x0.astype(jnp.int32), 0, _W - 1)
    x1i = jnp.clip(x0.astype(jnp.int32) + 1, 0, _W - 1)
    imgr = img.reshape(b, _G, cg, _HW)

    def gather(yi, xi):
        idx = (yi * _W + xi).reshape(b, _G, 1, _N * _HW)
        idx = jnp.broadcast_to(idx, (b, _G, cg, _N * _HW))
        return jnp.take_along_axis(imgr, idx, axis=3).reshape(
            b, _G, cg, _N, _H, _W)

    out = gather(y0i, x0i) * (wy0 * wx0)[:, :, None]
    out = out + gather(y0i, x1i) * (wy0 * wx1)[:, :, None]
    out = out + gather(y1i, x0i) * (wy1 * wx0)[:, :, None]
    out = out + gather(y1i, x1i) * (wy1 * wx1)[:, :, None]
    return out.transpose(0, 4, 5, 3, 1, 2).reshape(b, _HW, _N, _C)


def kernel(query, key, value, W1, b1, W2, b2, Wo, bo):
    off144 = _offsets_tc(query, key, W1, b1, W2, b2, Wo, bo)
    off = off144.T.reshape(1, _G, _N, 2, _H, _W)

    key_off = _bilinear_sample(key, off)
    q = query.reshape(1, _C, _HW).transpose(0, 2, 1)
    relevance = jnp.einsum('bpnc,bpc->bpn', key_off, q)
    vals, inds = lax.top_k(relevance, _TOPK)
    corr = jax.nn.softmax(vals, axis=2)
    weight_ori = jnp.sum(corr * vals, axis=2)

    val_off = _bilinear_sample(value, off)
    v_sel = jnp.take_along_axis(val_off, inds[..., None], axis=2)
    v_out = jnp.einsum('bpkc,bpk->bpc', v_sel, corr).transpose(0, 2, 1)
    return (weight_ori, v_out)

# --- scband reference (transcript-rebuilt; emitter-appended) ---
"""Pipeline reference for scband-deformable-attention-69973607187177 (READ-ONLY COPY).

The authoritative reference and input builder live on the scoring server;
editing this copy changes nothing except your own understanding.
"""

import jax, jax.numpy as jnp
import numpy as np

B, C, H, W = 1, 64, 128, 128
G = 8
N = 9
TOPK = 2


def conv2d(x, w, b):
    y = jax.lax.conv_general_dilated(x, w, (1, 1), 'SAME', dimension_numbers=('NCHW', 'OIHW', 'NCHW'))
    return y + b[None, :, None, None]


def lrelu(x):
    return jnp.where(x >= 0, x, 0.1 * x)


def dcn_sample(inp, offset_feat, Wo, bo):
    b, c, h, w = inp.shape
    cg = c // G
    off = conv2d(offset_feat, Wo, bo).reshape(b, G, N, 2, h, w)
    ky, kx = jnp.meshgrid(jnp.arange(-1, 2), jnp.arange(-1, 2), indexing='ij')
    ky = ky.reshape(N).astype(jnp.float32)
    kx = kx.reshape(N).astype(jnp.float32)
    yy, xx = jnp.meshgrid(jnp.arange(h, dtype=jnp.float32), jnp.arange(w, dtype=jnp.float32), indexing='ij')
    sy = yy[None, None, None] + ky[None, None, :, None, None] + off[:, :, :, 0]
    sx = xx[None, None, None] + kx[None, None, :, None, None] + off[:, :, :, 1]
    y0 = jnp.floor(sy)
    x0 = jnp.floor(sx)
    wy1 = sy - y0
    wx1 = sx - x0
    wy0 = 1.0 - wy1
    wx0 = 1.0 - wx1
    y0i = jnp.clip(y0.astype(jnp.int32), 0, h - 1)
    y1i = jnp.clip(y0.astype(jnp.int32) + 1, 0, h - 1)
    x0i = jnp.clip(x0.astype(jnp.int32), 0, w - 1)
    x1i = jnp.clip(x0.astype(jnp.int32) + 1, 0, w - 1)
    img = inp.reshape(b, G, cg, h * w)

    def gather(yi, xi):
        idx = (yi * w + xi).reshape(b, G, 1, N * h * w)
        idx = jnp.broadcast_to(idx, (b, G, cg, N * h * w))
        return jnp.take_along_axis(img, idx, axis=3).reshape(b, G, cg, N, h, w)

    out = gather(y0i, x0i) * (wy0 * wx0)[:, :, None]
    out = out + gather(y0i, x1i) * (wy0 * wx1)[:, :, None]
    out = out + gather(y1i, x0i) * (wy1 * wx0)[:, :, None]
    out = out + gather(y1i, x1i) * (wy1 * wx1)[:, :, None]
    return out.reshape(b, c * N, h, w)


def _forward(query, key, value, W1, b1, W2, b2, Wo, bo):
    off = lrelu(conv2d(jnp.concatenate([query, key], axis=1), W1, b1))
    off = lrelu(conv2d(off, W2, b2))
    b, c, h, w = off.shape
    hw = h * w
    key_off = dcn_sample(key, off, Wo, bo).reshape(b, c, N, h, w).transpose(0, 3, 4, 2, 1).reshape(b, hw, N, c)
    q = query.reshape(b, c, hw).transpose(0, 2, 1)[..., None]
    relevance = jnp.matmul(key_off, q)
    vals, inds = jax.lax.top_k(relevance[..., 0], TOPK)
    corr = jax.nn.softmax(vals, axis=2)[..., None]
    val_off = dcn_sample(value, off, Wo, bo).reshape(b, c, N, h, w).transpose(0, 3, 4, 2, 1).reshape(b, hw, N, c)
    key_r = key_off.transpose(0, 2, 1, 3).reshape(b, N, hw * c)
    val_r = val_off.transpose(0, 2, 1, 3).reshape(b, N, hw * c)
    rele_ind = inds.transpose(0, 2, 1)
    k_list = []
    v_list = []
    for ii in range(TOPK):
        idx = jnp.repeat(rele_ind[:, ii, :, None], c, axis=2).reshape(b, 1, hw * c)
        k_list.append(jnp.take_along_axis(key_r, idx, axis=1))
        v_list.append(jnp.take_along_axis(val_r, idx, axis=1))
    k_topk = jnp.stack(k_list, axis=1).reshape(b, TOPK, hw, c).transpose(0, 2, 3, 1)
    v_topk = jnp.stack(v_list, axis=1).reshape(b, TOPK, hw, c).transpose(0, 2, 3, 1)
    k_update = jnp.matmul(k_topk, corr)
    v_out = jnp.matmul(v_topk, corr).reshape(b, hw, c).transpose(0, 2, 1)
    qT = q.transpose(0, 1, 3, 2)
    weight_ori = jnp.matmul(qT, k_update).reshape(b, hw)
    return (weight_ori, v_out)


def setup_inputs():
    rng = jax.random.key(0)
    ks = jax.random.split(rng, 6)
    query = jax.random.normal(ks[0], (B, C, H, W), jnp.float32)
    key = jax.random.normal(ks[1], (B, C, H, W), jnp.float32)
    value = jax.random.normal(ks[2], (B, C, H, W), jnp.float32)
    W1 = jax.random.normal(ks[3], (C, 2 * C, 3, 3), jnp.float32) * 0.02
    b1 = jnp.zeros((C,), jnp.float32)
    W2 = jax.random.normal(ks[4], (C, C, 3, 3), jnp.float32) * 0.02
    b2 = jnp.zeros((C,), jnp.float32)
    Wo = jax.random.normal(ks[5], (2 * G * N, C, 3, 3), jnp.float32) * 0.01
    bo = jnp.zeros((2 * G * N,), jnp.float32)
    return {'query': query, 'key': key, 'value': value, 'W1': W1, 'b1': b1, 'W2': W2, 'b2': b2, 'Wo': Wo, 'bo': bo}


def reference(query, key, value, W1, b1, W2, b2, Wo, bo):
    return _forward(query, key, value, W1, b1, W2, b2, Wo, bo)

if __name__ == "__main__":
    import jax
    _d = setup_inputs()
    print(jax.jit(kernel)(*tuple(_d.values())))

</pallas_src>

<mosaic_0001>
module attributes {stable_mosaic.version = 14 : i64} {
  func.func @_conv_body(%arg0: i32, %arg1: memref<16896x128xf32, #tpu.memory_space<vmem>>, %arg2: memref<9x128x64xf32, #tpu.memory_space<vmem>>, %arg3: memref<1x64xf32, #tpu.memory_space<vmem>>, %arg4: memref<2048x64xf32, #tpu.memory_space<vmem>>) attributes {dimension_semantics = [#tpu.dimension_semantics<arbitrary>], iteration_bounds = array<i64: 8>, scalar_prefetch = 0 : i64, scratch_operands = 0 : i64, tpu.core_type = #tpu.core_type<tc>, window_params = [{pipeline_mode = #tpu.pipeline_mode<synchronous>, transform_indices = @transform_0, window_bounds = array<i64: 16896, 128>}, {pipeline_mode = #tpu.pipeline_mode<synchronous>, transform_indices = @transform_1, window_bounds = array<i64: 9, 128, 64>}, {pipeline_mode = #tpu.pipeline_mode<synchronous>, transform_indices = @transform_2, window_bounds = array<i64: 1, 64>}, {transform_indices = @transform_3, window_bounds = array<i64: 2048, 64>}]} {
    %mul3A = arith.constant 2048 : i32
    %mul3A_0 = arith.muli %arg0, %mul3A : i32
    %add3A = arith.constant 256 : i32
    %add3A_1 = arith.addi %add3A, %mul3A_0 : i32
    %iota3A = tpu.iota {dimensions = array<i32: 0>} : vector<2048x1xi32>
    %jit3A = arith.constant 128 : i32
    %eq3A = arith.constant 0 : i32
    %eq3A_2 = arith.cmpi eq, %jit3A, %eq3A : i32
    %jit3A_3 = arith.constant 1 : i32
    %select_n3A = arith.select %eq3A_2, %jit3A_3, %jit3A : i32
    %rem3A = vector.broadcast %select_n3A : i32 to vector<2048x1xi32>
    %rem3A_4 = arith.remsi %iota3A, %rem3A : vector<2048x1xi32>
    %ne3A = arith.constant 0 : i32
    %ne3A_5 = vector.broadcast %ne3A : i32 to vector<2048x1xi32>
    %ne3A_6 = arith.cmpi ne, %rem3A_4, %ne3A_5 : vector<2048x1xi32>
    %lt3A = arith.constant 0 : i32
    %lt3A_7 = vector.broadcast %lt3A : i32 to vector<2048x1xi32>
    %lt3A_8 = arith.cmpi slt, %rem3A_4, %lt3A_7 : vector<2048x1xi32>
    %lt3A_9 = arith.constant 0 : i32
    %lt3A_10 = arith.cmpi slt, %select_n3A, %lt3A_9 : i32
    %ne3A_11 = vector.broadcast %lt3A_10 : i1 to vector<2048x1xi1>
    %ne3A_12 = vector.broadcast %ne3A_11 : vector<2048x1xi1> to vector<2048x1xi1>
    %ne3A_13 = arith.xori %lt3A_8, %ne3A_12 : vector<2048x1xi1>
    %and3A = arith.andi %ne3A_13, %ne3A_6 : vector<2048x1xi1>
    %add3A_14 = vector.broadcast %select_n3A : i32 to vector<2048x1xi32>
    %add3A_15 = arith.addi %rem3A_4, %add3A_14 : vector<2048x1xi32>
    %select_n3A_16 = arith.select %and3A, %add3A_15, %rem3A_4 : vector<2048x1xi1>, vector<2048x1xi32>
    %broadcast_in_dim3A = arith.constant 0.000000e+00 : f32
    %broadcast_in_dim3A_17 = vector.broadcast %broadcast_in_dim3A : f32 to vector<2048x64xf32>
    %add3A_18 = arith.constant -129 : i32
    %add3A_19 = arith.addi %add3A_1, %add3A_18 : i32
    %get3A = arith.index_cast %add3A_19 : i32 to index
    %get3A_20 = arith.constant 0 : index
    %get3A_21 = vector.load %arg1[%get3A, %get3A_20] : memref<16896x128xf32, #tpu.memory_space<vmem>>, vector<2048x128xf32>
    %eq3A_22 = arith.constant 0 : i32
    %eq3A_23 = vector.broadcast %eq3A_22 : i32 to vector<2048x1xi32>
    %eq3A_24 = arith.cmpi eq, %select_n3A_16, %eq3A_23 : vector<2048x1xi32>
    %jit3A_25 = arith.constant 0.000000e+00 : f32
    %broadcast_in_dim3A_26 = vector.shape_cast %eq3A_24 : vector<2048x1xi1> to vector<2048x1xi1>
    %broadcast_in_dim3A_27 = vector.broadcast %broadcast_in_dim3A_26 : vector<2048x1xi1> to vector<2048x128xi1>
    %broadcast_in_dim3A_28 = vector.broadcast %jit3A_25 : f32 to vector<2048x128xf32>
    %select_n3A_29 = arith.select %broadcast_in_dim3A_27, %broadcast_in_dim3A_28, %get3A_21 : vector<2048x128xi1>, vector<2048x128xf32>
    %get3A_30 = arith.constant 0 : index
    %get3A_31 = arith.constant 0 : index
    %get3A_32 = arith.constant 0 : index
    %get3A_33 = vector.load %arg2[%get3A_30, %get3A_31, %get3A_32] : memref<9x128x64xf32, #tpu.memory_space<vmem>>, vector<1x128x64xf32>
    %get3A_34 = vector.shape_cast %get3A_33 : vector<1x128x64xf32> to vector<128x64xf32>
    %dot_general3A = arith.constant dense<0.000000e+00> : vector<2048x64xf32>
    %dot_general3A_35 = tpu.matmul %select_n3A_29, %get3A_34, %dot_general3A {dimension_numbers = #tpu.dot_dimension_numbers<[1], [0], [0], [1], [0, 0, 1, 1], [], []>, transpose_lhs_hint = false} : vector<2048x128xf32>, vector<128x64xf32>, vector<2048x64xf32> -> vector<2048x64xf32>
    %add3A_36 = arith.addf %broadcast_in_dim3A_17, %dot_general3A_35 : vector<2048x64xf32>
    %add3A_37 = arith.constant -128 : i32
    %add3A_38 = arith.addi %add3A_1, %add3A_37 : i32
    %get3A_39 = arith.index_cast %add3A_38 : i32 to index
    %get3A_40 = arith.constant 0 : index
    %get3A_41 = vector.load %arg1[%get3A_39, %get3A_40] : memref<16896x128xf32, #tpu.memory_space<vmem>>, vector<2048x128xf32>
    %get3A_42 = arith.constant 1 : index
    %get3A_43 = arith.constant 0 : index
    %get3A_44 = arith.constant 0 : index
    %get3A_45 = vector.load %arg2[%get3A_42, %get3A_43, %get3A_44] : memref<9x128x64xf32, #tpu.memory_space<vmem>>, vector<1x128x64xf32>
    %get3A_46 = vector.shape_cast %get3A_45 : vector<1x128x64xf32> to vector<128x64xf32>
    %dot_general3A_47 = arith.constant dense<0.000000e+00> : vector<2048x64xf32>
    %dot_general3A_48 = tpu.matmul %get3A_41, %get3A_46, %dot_general3A_47 {dimension_numbers = #tpu.dot_dimension_numbers<[1], [0], [0], [1], [0, 0, 1, 1], [], []>, transpose_lhs_hint = false} : vector<2048x128xf32>, vector<128x64xf32>, vector<2048x64xf32> -> vector<2048x64xf32>
    %add3A_49 = arith.addf %add3A_36, %dot_general3A_48 : vector<2048x64xf32>
    %add3A_50 = arith.constant -127 : i32
    %add3A_51 = arith.addi %add3A_1, %add3A_50 : i32
    %get3A_52 = arith.index_cast %add3A_51 : i32 to index
    %get3A_53 = arith.constant 0 : index
    %get3A_54 = vector.load %arg1[%get3A_52, %get3A_53] : memref<16896x128xf32, #tpu.memory_space<vmem>>, vector<2048x128xf32>
    %eq3A_55 = arith.constant 127 : i32
    %eq3A_56 = vector.broadcast %eq3A_55 : i32 to vector<2048x1xi32>
    %eq3A_57 = arith.cmpi eq, %select_n3A_16, %eq3A_56 : vector<2048x1xi32>
    %jit3A_58 = arith.constant 0.000000e+00 : f32
    %broadcast_in_dim3A_59 = vector.shape_cast %eq3A_57 : vector<2048x1xi1> to vector<2048x1xi1>
    %broadcast_in_dim3A_60 = vector.broadcast %broadcast_in_dim3A_59 : vector<2048x1xi1> to vector<2048x128xi1>
    %broadcast_in_dim3A_61 = vector.broadcast %jit3A_58 : f32 to vector<2048x128xf32>
    %select_n3A_62 = arith.select %broadcast_in_dim3A_60, %broadcast_in_dim3A_61, %get3A_54 : vector<2048x128xi1>, vector<2048x128xf32>
    %get3A_63 = arith.constant 2 : index
    %get3A_64 = arith.constant 0 : index
    %get3A_65 = arith.constant 0 : index
    %get3A_66 = vector.load %arg2[%get3A_63, %get3A_64, %get3A_65] : memref<9x128x64xf32, #tpu.memory_space<vmem>>, vector<1x128x64xf32>
    %get3A_67 = vector.shape_cast %get3A_66 : vector<1x128x64xf32> to vector<128x64xf32>
    %dot_general3A_68 = arith.constant dense<0.000000e+00> : vector<2048x64xf32>
    %dot_general3A_69 = tpu.matmul %select_n3A_62, %get3A_67, %dot_general3A_68 {dimension_numbers = #tpu.dot_dimension_numbers<[1], [0], [0], [1], [0, 0, 1, 1], [], []>, transpose_lhs_hint = false} : vector<2048x128xf32>, vector<128x64xf32>, vector<2048x64xf32> -> vector<2048x64xf32>
    %add3A_70 = arith.addf %add3A_49, %dot_general3A_69 : vector<2048x64xf32>
    %add3A_71 = arith.constant -1 : i32
    %add3A_72 = arith.addi %add3A_1, %add3A_71 : i32
    %get3A_73 = arith.index_cast %add3A_72 : i32 to index
    %get3A_74 = arith.constant 0 : index
    %get3A_75 = vector.load %arg1[%get3A_73, %get3A_74] : memref<16896x128xf32, #tpu.memory_space<vmem>>, vector<2048x128xf32>
    %eq3A_76 = arith.constant 0 : i32
    %eq3A_77 = vector.broadcast %eq3A_76 : i32 to vector<2048x1xi32>
    %eq3A_78 = arith.cmpi eq, %select_n3A_16, %eq3A_77 : vector<2048x1xi32>
    %jit3A_79 = arith.constant 0.000000e+00 : f32
    %broadcast_in_dim3A_80 = vector.shape_cast %eq3A_78 : vector<2048x1xi1> to vector<2048x1xi1>
    %broadcast_in_dim3A_81 = vector.broadcast %broadcast_in_dim3A_80 : vector<2048x1xi1> to vector<2048x128xi1>
    %broadcast_in_dim3A_82 = vector.broadcast %jit3A_79 : f32 to vector<2048x128xf32>
    %select_n3A_83 = arith.select %broadcast_in_dim3A_81, %broadcast_in_dim3A_82, %get3A_75 : vector<2048x128xi1>, vector<2048x128xf32>
    %get3A_84 = arith.constant 3 : index
    %get3A_85 = arith.constant 0 : index
    %get3A_86 = arith.constant 0 : index
    %get3A_87 = vector.load %arg2[%get3A_84, %get3A_85, %get3A_86] : memref<9x128x64xf32, #tpu.memory_space<vmem>>, vector<1x128x64xf32>
    %get3A_88 = vector.shape_cast %get3A_87 : vector<1x128x64xf32> to vector<128x64xf32>
    %dot_general3A_89 = arith.constant dense<0.000000e+00> : vector<2048x64xf32>
    %dot_general3A_90 = tpu.matmul %select_n3A_83, %get3A_88, %dot_general3A_89 {dimension_numbers = #tpu.dot_dimension_numbers<[1], [0], [0], [1], [0, 0, 1, 1], [], []>, transpose_lhs_hint = false} : vector<2048x128xf32>, vector<128x64xf32>, vector<2048x64xf32> -> vector<2048x64xf32>
    %add3A_91 = arith.addf %add3A_70, %dot_general3A_90 : vector<2048x64xf32>
    %add3A_92 = arith.constant 0 : i32
    %add3A_93 = arith.addi %add3A_1, %add3A_92 : i32
    %get3A_94 = arith.index_cast %add3A_93 : i32 to index
    %get3A_95 = arith.constant 0 : index
    %get3A_96 = vector.load %arg1[%get3A_94, %get3A_95] : memref<16896x128xf32, #tpu.memory_space<vmem>>, vector<2048x128xf32>
    %get3A_97 = arith.constant 4 : index
    %get3A_98 = arith.constant 0 : index
    %get3A_99 = arith.constant 0 : index
    %get3A_100 = vector.load %arg2[%get3A_97, %get3A_98, %get3A_99] : memref<9x128x64xf32, #tpu.memory_space<vmem>>, vector<1x128x64xf32>
    %get3A_101 = vector.shape_cast %get3A_100 : vector<1x128x64xf32> to vector<128x64xf32>
    %dot_general3A_102 = arith.constant dense<0.000000e+00> : vector<2048x64xf32>
    %dot_general3A_103 = tpu.matmul %get3A_96, %get3A_101, %dot_general3A_102 {dimension_numbers = #tpu.dot_dimension_numbers<[1], [0], [0], [1], [0, 0, 1, 1], [], []>, transpose_lhs_hint = false} : vector<2048x128xf32>, vector<128x64xf32>, vector<2048x64xf32> -> vector<2048x64xf32>
    %add3A_104 = arith.addf %add3A_91, %dot_general3A_103 : vector<2048x64xf32>
    %add3A_105 = arith.constant 1 : i32
    %add3A_106 = arith.addi %add3A_1, %add3A_105 : i32
    %get3A_107 = arith.index_cast %add3A_106 : i32 to index
    %get3A_108 = arith.constant 0 : index
    %get3A_109 = vector.load %arg1[%get3A_107, %get3A_108] : memref<16896x128xf32, #tpu.memory_space<vmem>>, vector<2048x128xf32>
    %eq3A_110 = arith.constant 127 : i32
    %eq3A_111 = vector.broadcast %eq3A_110 : i32 to vector<2048x1xi32>
    %eq3A_112 = arith.cmpi eq, %select_n3A_16, %eq3A_111 : vector<2048x1xi32>
    %jit3A_113 = arith.constant 0.000000e+00 : f32
    %broadcast_in_dim3A_114 = vector.shape_cast %eq3A_112 : vector<2048x1xi1> to vector<2048x1xi1>
    %broadcast_in_dim3A_115 = vector.broadcast %broadcast_in_dim3A_114 : vector<2048x1xi1> to vector<2048x128xi1>
    %broadcast_in_dim3A_116 = vector.broadcast %jit3A_113 : f32 to vector<2048x128xf32>
    %select_n3A_117 = arith.select %broadcast_in_dim3A_115, %broadcast_in_dim3A_116, %get3A_109 : vector<2048x128xi1>, vector<2048x128xf32>
    %get3A_118 = arith.constant 5 : index
    %get3A_119 = arith.constant 0 : index
    %get3A_120 = arith.constant 0 : index
    %get3A_121 = vector.load %arg2[%get3A_118, %get3A_119, %get3A_120] : memref<9x128x64xf32, #tpu.memory_space<vmem>>, vector<1x128x64xf32>
    %get3A_122 = vector.shape_cast %get3A_121 : vector<1x128x64xf32> to vector<128x64xf32>
    %dot_general3A_123 = arith.constant dense<0.000000e+00> : vector<2048x64xf32>
    %dot_general3A_124 = tpu.matmul %select_n3A_117, %get3A_122, %dot_general3A_123 {dimension_numbers = #tpu.dot_dimension_numbers<[1], [0], [0], [1], [0, 0, 1, 1], [], []>, transpose_lhs_hint = false} : vector<2048x128xf32>, vector<128x64xf32>, vector<2048x64xf32> -> vector<2048x64xf32>
    %add3A_125 = arith.addf %add3A_104, %dot_general3A_124 : vector<2048x64xf32>
    %add3A_126 = arith.constant 127 : i32
    %add3A_127 = arith.addi %add3A_1, %add3A_126 : i32
    %get3A_128 = arith.index_cast %add3A_127 : i32 to index
    %get3A_129 = arith.constant 0 : index
    %get3A_130 = vector.load %arg1[%get3A_128, %get3A_129] : memref<16896x128xf32, #tpu.memory_space<vmem>>, vector<2048x128xf32>
    %eq3A_131 = arith.constant 0 : i32
    %eq3A_132 = vector.broadcast %eq3A_131 : i32 to vector<2048x1xi32>
    %eq3A_133 = arith.cmpi eq, %select_n3A_16, %eq3A_132 : vector<2048x1xi32>
    %jit3A_134 = arith.constant 0.000000e+00 : f32
    %broadcast_in_dim3A_135 = vector.shape_cast %eq3A_133 : vector<2048x1xi1> to vector<2048x1xi1>
    %broadcast_in_dim3A_136 = vector.broadcast %broadcast_in_dim3A_135 : vector<2048x1xi1> to vector<2048x128xi1>
    %broadcast_in_dim3A_137 = vector.broadcast %jit3A_134 : f32 to vector<2048x128xf32>
    %select_n3A_138 = arith.select %broadcast_in_dim3A_136, %broadcast_in_dim3A_137, %get3A_130 : vector<2048x128xi1>, vector<2048x128xf32>
    %get3A_139 = arith.constant 6 : index
    %get3A_140 = arith.constant 0 : index
    %get3A_141 = arith.constant 0 : index
    %get3A_142 = vector.load %arg2[%get3A_139, %get3A_140, %get3A_141] : memref<9x128x64xf32, #tpu.memory_space<vmem>>, vector<1x128x64xf32>
    %get3A_143 = vector.shape_cast %get3A_142 : vector<1x128x64xf32> to vector<128x64xf32>
    %dot_general3A_144 = arith.constant dense<0.000000e+00> : vector<2048x64xf32>
    %dot_general3A_145 = tpu.matmul %select_n3A_138, %get3A_143, %dot_general3A_144 {dimension_numbers = #tpu.dot_dimension_numbers<[1], [0], [0], [1], [0, 0, 1, 1], [], []>, transpose_lhs_hint = false} : vector<2048x128xf32>, vector<128x64xf32>, vector<2048x64xf32> -> vector<2048x64xf32>
    %add3A_146 = arith.addf %add3A_125, %dot_general3A_145 : vector<2048x64xf32>
    %add3A_147 = arith.constant 128 : i32
    %add3A_148 = arith.addi %add3A_1, %add3A_147 : i32
    %get3A_149 = arith.index_cast %add3A_148 : i32 to index
    %get3A_150 = arith.constant 0 : index
    %get3A_151 = vector.load %arg1[%get3A_149, %get3A_150] : memref<16896x128xf32, #tpu.memory_space<vmem>>, vector<2048x128xf32>
    %get3A_152 = arith.constant 7 : index
    %get3A_153 = arith.constant 0 : index
    %get3A_154 = arith.constant 0 : index
    %get3A_155 = vector.load %arg2[%get3A_152, %get3A_153, %get3A_154] : memref<9x128x64xf32, #tpu.memory_space<vmem>>, vector<1x128x64xf32>
    %get3A_156 = vector.shape_cast %get3A_155 : vector<1x128x64xf32> to vector<128x64xf32>
    %dot_general3A_157 = arith.constant dense<0.000000e+00> : vector<2048x64xf32>
    %dot_general3A_158 = tpu.matmul %get3A_151, %get3A_156, %dot_general3A_157 {dimension_numbers = #tpu.dot_dimension_numbers<[1], [0], [0], [1], [0, 0, 1, 1], [], []>, transpose_lhs_hint = false} : vector<2048x128xf32>, vector<128x64xf32>, vector<2048x64xf32> -> vector<2048x64xf32>
    %add3A_159 = arith.addf %add3A_146, %dot_general3A_158 : vector<2048x64xf32>
    %add3A_160 = arith.constant 129 : i32
    %add3A_161 = arith.addi %add3A_1, %add3A_160 : i32
    %get3A_162 = arith.index_cast %add3A_161 : i32 to index
    %get3A_163 = arith.constant 0 : index
    %get3A_164 = vector.load %arg1[%get3A_162, %get3A_163] : memref<16896x128xf32, #tpu.memory_space<vmem>>, vector<2048x128xf32>
    %eq3A_165 = arith.constant 127 : i32
    %eq3A_166 = vector.broadcast %eq3A_165 : i32 to vector<2048x1xi32>
    %eq3A_167 = arith.cmpi eq, %select_n3A_16, %eq3A_166 : vector<2048x1xi32>
    %jit3A_168 = arith.constant 0.000000e+00 : f32
    %broadcast_in_dim3A_169 = vector.shape_cast %eq3A_167 : vector<2048x1xi1> to vector<2048x1xi1>
    %broadcast_in_dim3A_170 = vector.broadcast %broadcast_in_dim3A_169 : vector<2048x1xi1> to vector<2048x128xi1>
    %broadcast_in_dim3A_171 = vector.broadcast %jit3A_168 : f32 to vector<2048x128xf32>
    %select_n3A_172 = arith.select %broadcast_in_dim3A_170, %broadcast_in_dim3A_171, %get3A_164 : vector<2048x128xi1>, vector<2048x128xf32>
    %get3A_173 = arith.constant 8 : index
    %get3A_174 = arith.constant 0 : index
    %get3A_175 = arith.constant 0 : index
    %get3A_176 = vector.load %arg2[%get3A_173, %get3A_174, %get3A_175] : memref<9x128x64xf32, #tpu.memory_space<vmem>>, vector<1x128x64xf32>
    %get3A_177 = vector.shape_cast %get3A_176 : vector<1x128x64xf32> to vector<128x64xf32>
    %dot_general3A_178 = arith.constant dense<0.000000e+00> : vector<2048x64xf32>
    %dot_general3A_179 = tpu.matmul %select_n3A_172, %get3A_177, %dot_general3A_178 {dimension_numbers = #tpu.dot_dimension_numbers<[1], [0], [0], [1], [0, 0, 1, 1], [], []>, transpose_lhs_hint = false} : vector<2048x128xf32>, vector<128x64xf32>, vector<2048x64xf32> -> vector<2048x64xf32>
    %add3A_180 = arith.addf %add3A_159, %dot_general3A_179 : vector<2048x64xf32>
    %get3A_181 = arith.constant 0 : index
    %get3A_182 = arith.constant 0 : index
    %get3A_183 = vector.load %arg3[%get3A_181, %get3A_182] : memref<1x64xf32, #tpu.memory_space<vmem>>, vector<1x64xf32>
    %add3A_184 = vector.broadcast %get3A_183 : vector<1x64xf32> to vector<2048x64xf32>
    %add3A_185 = arith.addf %add3A_180, %add3A_184 : vector<2048x64xf32>
    %ge3A = arith.constant 0.000000e+00 : f32
    %ge3A_186 = vector.broadcast %ge3A : f32 to vector<2048x64xf32>
    %ge3A_187 = arith.cmpf oge, %add3A_185, %ge3A_186 : vector<2048x64xf32>
    %mul3A_188 = arith.constant 1.000000e-01 : f32
    %mul3A_189 = vector.broadcast %mul3A_188 : f32 to vector<2048x64xf32>
    %mul3A_190 = arith.mulf %mul3A_189, %add3A_185 : vector<2048x64xf32>
    %select_n3A_191 = arith.select %ge3A_187, %add3A_185, %mul3A_190 : vector<2048x64xi1>, vector<2048x64xf32>
    %swap3A = arith.constant 0 : index
    %swap3A_192 = arith.constant 0 : index
    %swap3A_193 = vector.load %arg4[%swap3A, %swap3A_192] : memref<2048x64xf32, #tpu.memory_space<vmem>>, vector<2048x64xf32>
    tpu.vector_store %arg4[%swap3A, %swap3A_192], %select_n3A_191 {strides = array<i32>} : memref<2048x64xf32, #tpu.memory_space<vmem>>, vector<2048x64xf32>,
    return
  }
  func.func @transform_0(%arg0: i32) -> (i32, i32) {
    %c0_i32 = arith.constant 0 : i32
    %c0_i32_0 = arith.constant 0 : i32
    %c0_i32_1 = arith.constant 0 : i32
    return %c0_i32, %c0_i32_0 : i32, i32
  }
  func.func @transform_1(%arg0: i32) -> (i32, i32, i32) {
    %c0_i32 = arith.constant 0 : i32
    %c0_i32_0 = arith.constant 0 : i32
    %c0_i32_1 = arith.constant 0 : i32
    %c0_i32_2 = arith.constant 0 : i32
    return %c0_i32, %c0_i32_0, %c0_i32_1 : i32, i32, i32
  }
  func.func @transform_2(%arg0: i32) -> (i32, i32) {
    %c0_i32 = arith.constant 0 : i32
    %c0_i32_0 = arith.constant 0 : i32
    %c0_i32_1 = arith.constant 0 : i32
    return %c0_i32, %c0_i32_0 : i32, i32
  }
  func.func @transform_3(%arg0: i32) -> (i32, i32) {
    %c0_i32 = arith.constant 0 : i32
    %c0_i32_0 = arith.constant 0 : i32
    return %arg0, %c0_i32 : i32, i32
  }
}

module attributes {stable_mosaic.version = 14 : i64} {
  func.func @_conv_body(%arg0: i32, %arg1: memref<16896x64xf32, #tpu.memory_space<vmem>>, %arg2: memref<9x64x64xf32, #tpu.memory_space<vmem>>, %arg3: memref<1x64xf32, #tpu.memory_space<vmem>>, %arg4: memref<2048x64xf32, #tpu.memory_space<vmem>>) attributes {dimension_semantics = [#tpu.dimension_semantics<arbitrary>], iteration_bounds = array<i64: 8>, scalar_prefetch = 0 : i64, scratch_operands = 0 : i64, tpu.core_type = #tpu.core_type<tc>, window_params = [{pipeline_mode = #tpu.pipeline_mode<synchronous>, transform_indices = @transform_0, window_bounds = array<i64: 16896, 64>}, {pipeline_mode = #tpu.pipeline_mode<synchronous>, transform_indices = @transform_1, window_bounds = array<i64: 9, 64, 64>}, {pipeline_mode = #tpu.pipeline_mode<synchronous>, transform_indices = @transform_2, window_bounds = array<i64: 1, 64>}, {transform_indices = @transform_3, window_bounds = array<i64: 2048, 64>}]} {
    %mul3A = arith.constant 2048 : i32
    %mul3A_0 = arith.muli %arg0, %mul3A : i32
    %add3A = arith.constant 256 : i32
    %add3A_1 = arith.addi %add3A, %mul3A_0 : i32
    %iota3A = tpu.iota {dimensions = array<i32: 0>} : vector<2048x1xi32>
    %jit3A = arith.constant 128 : i32
    %eq3A = arith.constant 0 : i32
    %eq3A_2 = arith.cmpi eq, %jit3A, %eq3A : i32
    %jit3A_3 = arith.constant 1 : i32
    %select_n3A = arith.select %eq3A_2, %jit3A_3, %jit3A : i32
    %rem3A = vector.broadcast %select_n3A : i32 to vector<2048x1xi32>
    %rem3A_4 = arith.remsi %iota3A, %rem3A : vector<2048x1xi32>
    %ne3A = arith.constant 0 : i32
    %ne3A_5 = vector.broadcast %ne3A : i32 to vector<2048x1xi32>
    %ne3A_6 = arith.cmpi ne, %rem3A_4, %ne3A_5 : vector<2048x1xi32>
    %lt3A = arith.constant 0 : i32
    %lt3A_7 = vector.broadcast %lt3A : i32 to vector<2048x1xi32>
    %lt3A_8 = arith.cmpi slt, %rem3A_4, %lt3A_7 : vector<2048x1xi32>
    %lt3A_9 = arith.constant 0 : i32
    %lt3A_10 = arith.cmpi slt, %select_n3A, %lt3A_9 : i32
    %ne3A_11 = vector.broadcast %lt3A_10 : i1 to vector<2048x1xi1>
    %ne3A_12 = vector.broadcast %ne3A_11 : vector<2048x1xi1> to vector<2048x1xi1>
    %ne3A_13 = arith.xori %lt3A_8, %ne3A_12 : vector<2048x1xi1>
    %and3A = arith.andi %ne3A_13, %ne3A_6 : vector<2048x1xi1>
    %add3A_14 = vector.broadcast %select_n3A : i32 to vector<2048x1xi32>
    %add3A_15 = arith.addi %rem3A_4, %add3A_14 : vector<2048x1xi32>
    %select_n3A_16 = arith.select %and3A, %add3A_15, %rem3A_4 : vector<2048x1xi1>, vector<2048x1xi32>
    %broadcast_in_dim3A = arith.constant 0.000000e+00 : f32
    %broadcast_in_dim3A_17 = vector.broadcast %broadcast_in_dim3A : f32 to vector<2048x64xf32>
    %add3A_18 = arith.constant -129 : i32
    %add3A_19 = arith.addi %add3A_1, %add3A_18 : i32
    %get3A = arith.index_cast %add3A_19 : i32 to index
    %get3A_20 = arith.constant 0 : index
    %get3A_21 = vector.load %arg1[%get3A, %get3A_20] : memref<16896x64xf32, #tpu.memory_space<vmem>>, vector<2048x64xf32>
    %eq3A_22 = arith.constant 0 : i32
    %eq3A_23 = vector.broadcast %eq3A_22 : i32 to vector<2048x1xi32>
    %eq3A_24 = arith.cmpi eq, %select_n3A_16, %eq3A_23 : vector<2048x1xi32>
    %jit3A_25 = arith.constant 0.000000e+00 : f32
    %broadcast_in_dim3A_26 = vector.shape_cast %eq3A_24 : vector<2048x1xi1> to vector<2048x1xi1>
    %broadcast_in_dim3A_27 = vector.broadcast %broadcast_in_dim3A_26 : vector<2048x1xi1> to vector<2048x64xi1>
    %broadcast_in_dim3A_28 = vector.broadcast %jit3A_25 : f32 to vector<2048x64xf32>
    %select_n3A_29 = arith.select %broadcast_in_dim3A_27, %broadcast_in_dim3A_28, %get3A_21 : vector<2048x64xi1>, vector<2048x64xf32>
    %get3A_30 = arith.constant 0 : index
    %get3A_31 = arith.constant 0 : index
    %get3A_32 = arith.constant 0 : index
    %get3A_33 = vector.load %arg2[%get3A_30, %get3A_31, %get3A_32] : memref<9x64x64xf32, #tpu.memory_space<vmem>>, vector<1x64x64xf32>
    %get3A_34 = vector.shape_cast %get3A_33 : vector<1x64x64xf32> to vector<64x64xf32>
    %dot_general3A = arith.constant dense<0.000000e+00> : vector<2048x64xf32>
    %dot_general3A_35 = tpu.matmul %select_n3A_29, %get3A_34, %dot_general3A {dimension_numbers = #tpu.dot_dimension_numbers<[1], [0], [0], [1], [0, 0, 1, 1], [], []>, transpose_lhs_hint = false} : vector<2048x64xf32>, vector<64x64xf32>, vector<2048x64xf32> -> vector<2048x64xf32>
    %add3A_36 = arith.addf %broadcast_in_dim3A_17, %dot_general3A_35 : vector<2048x64xf32>
    %add3A_37 = arith.constant -128 : i32
    %add3A_38 = arith.addi %add3A_1, %add3A_37 : i32
    %get3A_39 = arith.index_cast %add3A_38 : i32 to index
    %get3A_40 = arith.constant 0 : index
    %get3A_41 = vector.load %arg1[%get3A_39, %get3A_40] : memref<16896x64xf32, #tpu.memory_space<vmem>>, vector<2048x64xf32>
    %get3A_42 = arith.constant 1 : index
    %get3A_43 = arith.constant 0 : index
    %get3A_44 = arith.constant 0 : index
    %get3A_45 = vector.load %arg2[%get3A_42, %get3A_43, %get3A_44] : memref<9x64x64xf32, #tpu.memory_space<vmem>>, vector<1x64x64xf32>
    %get3A_46 = vector.shape_cast %get3A_45 : vector<1x64x64xf32> to vector<64x64xf32>
    %dot_general3A_47 = arith.constant dense<0.000000e+00> : vector<2048x64xf32>
    %dot_general3A_48 = tpu.matmul %get3A_41, %get3A_46, %dot_general3A_47 {dimension_numbers = #tpu.dot_dimension_numbers<[1], [0], [0], [1], [0, 0, 1, 1], [], []>, transpose_lhs_hint = false} : vector<2048x64xf32>, vector<64x64xf32>, vector<2048x64xf32> -> vector<2048x64xf32>
    %add3A_49 = arith.addf %add3A_36, %dot_general3A_48 : vector<2048x64xf32>
    %add3A_50 = arith.constant -127 : i32
    %add3A_51 = arith.addi %add3A_1, %add3A_50 : i32
    %get3A_52 = arith.index_cast %add3A_51 : i32 to index
    %get3A_53 = arith.constant 0 : index
    %get3A_54 = vector.load %arg1[%get3A_52, %get3A_53] : memref<16896x64xf32, #tpu.memory_space<vmem>>, vector<2048x64xf32>
    %eq3A_55 = arith.constant 127 : i32
    %eq3A_56 = vector.broadcast %eq3A_55 : i32 to vector<2048x1xi32>
    %eq3A_57 = arith.cmpi eq, %select_n3A_16, %eq3A_56 : vector<2048x1xi32>
    %jit3A_58 = arith.constant 0.000000e+00 : f32
    %broadcast_in_dim3A_59 = vector.shape_cast %eq3A_57 : vector<2048x1xi1> to vector<2048x1xi1>
    %broadcast_in_dim3A_60 = vector.broadcast %broadcast_in_dim3A_59 : vector<2048x1xi1> to vector<2048x64xi1>
    %broadcast_in_dim3A_61 = vector.broadcast %jit3A_58 : f32 to vector<2048x64xf32>
    %select_n3A_62 = arith.select %broadcast_in_dim3A_60, %broadcast_in_dim3A_61, %get3A_54 : vector<2048x64xi1>, vector<2048x64xf32>
    %get3A_63 = arith.constant 2 : index
    %get3A_64 = arith.constant 0 : index
    %get3A_65 = arith.constant 0 : index
    %get3A_66 = vector.load %arg2[%get3A_63, %get3A_64, %get3A_65] : memref<9x64x64xf32, #tpu.memory_space<vmem>>, vector<1x64x64xf32>
    %get3A_67 = vector.shape_cast %get3A_66 : vector<1x64x64xf32> to vector<64x64xf32>
    %dot_general3A_68 = arith.constant dense<0.000000e+00> : vector<2048x64xf32>
    %dot_general3A_69 = tpu.matmul %select_n3A_62, %get3A_67, %dot_general3A_68 {dimension_numbers = #tpu.dot_dimension_numbers<[1], [0], [0], [1], [0, 0, 1, 1], [], []>, transpose_lhs_hint = false} : vector<2048x64xf32>, vector<64x64xf32>, vector<2048x64xf32> -> vector<2048x64xf32>
    %add3A_70 = arith.addf %add3A_49, %dot_general3A_69 : vector<2048x64xf32>
    %add3A_71 = arith.constant -1 : i32
    %add3A_72 = arith.addi %add3A_1, %add3A_71 : i32
    %get3A_73 = arith.index_cast %add3A_72 : i32 to index
    %get3A_74 = arith.constant 0 : index
    %get3A_75 = vector.load %arg1[%get3A_73, %get3A_74] : memref<16896x64xf32, #tpu.memory_space<vmem>>, vector<2048x64xf32>
    %eq3A_76 = arith.constant 0 : i32
    %eq3A_77 = vector.broadcast %eq3A_76 : i32 to vector<2048x1xi32>
    %eq3A_78 = arith.cmpi eq, %select_n3A_16, %eq3A_77 : vector<2048x1xi32>
    %jit3A_79 = arith.constant 0.000000e+00 : f32
    %broadcast_in_dim3A_80 = vector.shape_cast %eq3A_78 : vector<2048x1xi1> to vector<2048x1xi1>
    %broadcast_in_dim3A_81 = vector.broadcast %broadcast_in_dim3A_80 : vector<2048x1xi1> to vector<2048x64xi1>
    %broadcast_in_dim3A_82 = vector.broadcast %jit3A_79 : f32 to vector<2048x64xf32>
    %select_n3A_83 = arith.select %broadcast_in_dim3A_81, %broadcast_in_dim3A_82, %get3A_75 : vector<2048x64xi1>, vector<2048x64xf32>
    %get3A_84 = arith.constant 3 : index
    %get3A_85 = arith.constant 0 : index
    %get3A_86 = arith.constant 0 : index
    %get3A_87 = vector.load %arg2[%get3A_84, %get3A_85, %get3A_86] : memref<9x64x64xf32, #tpu.memory_space<vmem>>, vector<1x64x64xf32>
    %get3A_88 = vector.shape_cast %get3A_87 : vector<1x64x64xf32> to vector<64x64xf32>
    %dot_general3A_89 = arith.constant dense<0.000000e+00> : vector<2048x64xf32>
    %dot_general3A_90 = tpu.matmul %select_n3A_83, %get3A_88, %dot_general3A_89 {dimension_numbers = #tpu.dot_dimension_numbers<[1], [0], [0], [1], [0, 0, 1, 1], [], []>, transpose_lhs_hint = false} : vector<2048x64xf32>, vector<64x64xf32>, vector<2048x64xf32> -> vector<2048x64xf32>
    %add3A_91 = arith.addf %add3A_70, %dot_general3A_90 : vector<2048x64xf32>
    %add3A_92 = arith.constant 0 : i32
    %add3A_93 = arith.addi %add3A_1, %add3A_92 : i32
    %get3A_94 = arith.index_cast %add3A_93 : i32 to index
    %get3A_95 = arith.constant 0 : index
    %get3A_96 = vector.load %arg1[%get3A_94, %get3A_95] : memref<16896x64xf32, #tpu.memory_space<vmem>>, vector<2048x64xf32>
    %get3A_97 = arith.constant 4 : index
    %get3A_98 = arith.constant 0 : index
    %get3A_99 = arith.constant 0 : index
    %get3A_100 = vector.load %arg2[%get3A_97, %get3A_98, %get3A_99] : memref<9x64x64xf32, #tpu.memory_space<vmem>>, vector<1x64x64xf32>
    %get3A_101 = vector.shape_cast %get3A_100 : vector<1x64x64xf32> to vector<64x64xf32>
    %dot_general3A_102 = arith.constant dense<0.000000e+00> : vector<2048x64xf32>
    %dot_general3A_103 = tpu.matmul %get3A_96, %get3A_101, %dot_general3A_102 {dimension_numbers = #tpu.dot_dimension_numbers<[1], [0], [0], [1], [0, 0, 1, 1], [], []>, transpose_lhs_hint = false} : vector<2048x64xf32>, vector<64x64xf32>, vector<2048x64xf32> -> vector<2048x64xf32>
    %add3A_104 = arith.addf %add3A_91, %dot_general3A_103 : vector<2048x64xf32>
    %add3A_105 = arith.constant 1 : i32
    %add3A_106 = arith.addi %add3A_1, %add3A_105 : i32
    %get3A_107 = arith.index_cast %add3A_106 : i32 to index
    %get3A_108 = arith.constant 0 : index
    %get3A_109 = vector.load %arg1[%get3A_107, %get3A_108] : memref<16896x64xf32, #tpu.memory_space<vmem>>, vector<2048x64xf32>
    %eq3A_110 = arith.constant 127 : i32
    %eq3A_111 = vector.broadcast %eq3A_110 : i32 to vector<2048x1xi32>
    %eq3A_112 = arith.cmpi eq, %select_n3A_16, %eq3A_111 : vector<2048x1xi32>
    %jit3A_113 = arith.constant 0.000000e+00 : f32
    %broadcast_in_dim3A_114 = vector.shape_cast %eq3A_112 : vector<2048x1xi1> to vector<2048x1xi1>
    %broadcast_in_dim3A_115 = vector.broadcast %broadcast_in_dim3A_114 : vector<2048x1xi1> to vector<2048x64xi1>
    %broadcast_in_dim3A_116 = vector.broadcast %jit3A_113 : f32 to vector<2048x64xf32>
    %select_n3A_117 = arith.select %broadcast_in_dim3A_115, %broadcast_in_dim3A_116, %get3A_109 : vector<2048x64xi1>, vector<2048x64xf32>
    %get3A_118 = arith.constant 5 : index
    %get3A_119 = arith.constant 0 : index
    %get3A_120 = arith.constant 0 : index
    %get3A_121 = vector.load %arg2[%get3A_118, %get3A_119, %get3A_120] : memref<9x64x64xf32, #tpu.memory_space<vmem>>, vector<1x64x64xf32>
    %get3A_122 = vector.shape_cast %get3A_121 : vector<1x64x64xf32> to vector<64x64xf32>
    %dot_general3A_123 = arith.constant dense<0.000000e+00> : vector<2048x64xf32>
    %dot_general3A_124 = tpu.matmul %select_n3A_117, %get3A_122, %dot_general3A_123 {dimension_numbers = #tpu.dot_dimension_numbers<[1], [0], [0], [1], [0, 0, 1, 1], [], []>, transpose_lhs_hint = false} : vector<2048x64xf32>, vector<64x64xf32>, vector<2048x64xf32> -> vector<2048x64xf32>
    %add3A_125 = arith.addf %add3A_104, %dot_general3A_124 : vector<2048x64xf32>
    %add3A_126 = arith.constant 127 : i32
    %add3A_127 = arith.addi %add3A_1, %add3A_126 : i32
    %get3A_128 = arith.index_cast %add3A_127 : i32 to index
    %get3A_129 = arith.constant 0 : index
    %get3A_130 = vector.load %arg1[%get3A_128, %get3A_129] : memref<16896x64xf32, #tpu.memory_space<vmem>>, vector<2048x64xf32>
    %eq3A_131 = arith.constant 0 : i32
    %eq3A_132 = vector.broadcast %eq3A_131 : i32 to vector<2048x1xi32>
    %eq3A_133 = arith.cmpi eq, %select_n3A_16, %eq3A_132 : vector<2048x1xi32>
    %jit3A_134 = arith.constant 0.000000e+00 : f32
    %broadcast_in_dim3A_135 = vector.shape_cast %eq3A_133 : vector<2048x1xi1> to vector<2048x1xi1>
    %broadcast_in_dim3A_136 = vector.broadcast %broadcast_in_dim3A_135 : vector<2048x1xi1> to vector<2048x64xi1>
    %broadcast_in_dim3A_137 = vector.broadcast %jit3A_134 : f32 to vector<2048x64xf32>
    %select_n3A_138 = arith.select %broadcast_in_dim3A_136, %broadcast_in_dim3A_137, %get3A_130 : vector<2048x64xi1>, vector<2048x64xf32>
    %get3A_139 = arith.constant 6 : index
    %get3A_140 = arith.constant 0 : index
    %get3A_141 = arith.constant 0 : index
    %get3A_142 = vector.load %arg2[%get3A_139, %get3A_140, %get3A_141] : memref<9x64x64xf32, #tpu.memory_space<vmem>>, vector<1x64x64xf32>
    %get3A_143 = vector.shape_cast %get3A_142 : vector<1x64x64xf32> to vector<64x64xf32>
    %dot_general3A_144 = arith.constant dense<0.000000e+00> : vector<2048x64xf32>
    %dot_general3A_145 = tpu.matmul %select_n3A_138, %get3A_143, %dot_general3A_144 {dimension_numbers = #tpu.dot_dimension_numbers<[1], [0], [0], [1], [0, 0, 1, 1], [], []>, transpose_lhs_hint = false} : vector<2048x64xf32>, vector<64x64xf32>, vector<2048x64xf32> -> vector<2048x64xf32>
    %add3A_146 = arith.addf %add3A_125, %dot_general3A_145 : vector<2048x64xf32>
    %add3A_147 = arith.constant 128 : i32
    %add3A_148 = arith.addi %add3A_1, %add3A_147 : i32
    %get3A_149 = arith.index_cast %add3A_148 : i32 to index
    %get3A_150 = arith.constant 0 : index
    %get3A_151 = vector.load %arg1[%get3A_149, %get3A_150] : memref<16896x64xf32, #tpu.memory_space<vmem>>, vector<2048x64xf32>
    %get3A_152 = arith.constant 7 : index
    %get3A_153 = arith.constant 0 : index
    %get3A_154 = arith.constant 0 : index
    %get3A_155 = vector.load %arg2[%get3A_152, %get3A_153, %get3A_154] : memref<9x64x64xf32, #tpu.memory_space<vmem>>, vector<1x64x64xf32>
    %get3A_156 = vector.shape_cast %get3A_155 : vector<1x64x64xf32> to vector<64x64xf32>
    %dot_general3A_157 = arith.constant dense<0.000000e+00> : vector<2048x64xf32>
    %dot_general3A_158 = tpu.matmul %get3A_151, %get3A_156, %dot_general3A_157 {dimension_numbers = #tpu.dot_dimension_numbers<[1], [0], [0], [1], [0, 0, 1, 1], [], []>, transpose_lhs_hint = false} : vector<2048x64xf32>, vector<64x64xf32>, vector<2048x64xf32> -> vector<2048x64xf32>
    %add3A_159 = arith.addf %add3A_146, %dot_general3A_158 : vector<2048x64xf32>
    %add3A_160 = arith.constant 129 : i32
    %add3A_161 = arith.addi %add3A_1, %add3A_160 : i32
    %get3A_162 = arith.index_cast %add3A_161 : i32 to index
    %get3A_163 = arith.constant 0 : index
    %get3A_164 = vector.load %arg1[%get3A_162, %get3A_163] : memref<16896x64xf32, #tpu.memory_space<vmem>>, vector<2048x64xf32>
    %eq3A_165 = arith.constant 127 : i32
    %eq3A_166 = vector.broadcast %eq3A_165 : i32 to vector<2048x1xi32>
    %eq3A_167 = arith.cmpi eq, %select_n3A_16, %eq3A_166 : vector<2048x1xi32>
    %jit3A_168 = arith.constant 0.000000e+00 : f32
    %broadcast_in_dim3A_169 = vector.shape_cast %eq3A_167 : vector<2048x1xi1> to vector<2048x1xi1>
    %broadcast_in_dim3A_170 = vector.broadcast %broadcast_in_dim3A_169 : vector<2048x1xi1> to vector<2048x64xi1>
    %broadcast_in_dim3A_171 = vector.broadcast %jit3A_168 : f32 to vector<2048x64xf32>
    %select_n3A_172 = arith.select %broadcast_in_dim3A_170, %broadcast_in_dim3A_171, %get3A_164 : vector<2048x64xi1>, vector<2048x64xf32>
    %get3A_173 = arith.constant 8 : index
    %get3A_174 = arith.constant 0 : index
    %get3A_175 = arith.constant 0 : index
    %get3A_176 = vector.load %arg2[%get3A_173, %get3A_174, %get3A_175] : memref<9x64x64xf32, #tpu.memory_space<vmem>>, vector<1x64x64xf32>
    %get3A_177 = vector.shape_cast %get3A_176 : vector<1x64x64xf32> to vector<64x64xf32>
    %dot_general3A_178 = arith.constant dense<0.000000e+00> : vector<2048x64xf32>
    %dot_general3A_179 = tpu.matmul %select_n3A_172, %get3A_177, %dot_general3A_178 {dimension_numbers = #tpu.dot_dimension_numbers<[1], [0], [0], [1], [0, 0, 1, 1], [], []>, transpose_lhs_hint = false} : vector<2048x64xf32>, vector<64x64xf32>, vector<2048x64xf32> -> vector<2048x64xf32>
    %add3A_180 = arith.addf %add3A_159, %dot_general3A_179 : vector<2048x64xf32>
    %get3A_181 = arith.constant 0 : index
    %get3A_182 = arith.constant 0 : index
    %get3A_183 = vector.load %arg3[%get3A_181, %get3A_182] : memref<1x64xf32, #tpu.memory_space<vmem>>, vector<1x64xf32>
    %add3A_184 = vector.broadcast %get3A_183 : vector<1x64xf32> to vector<2048x64xf32>
    %add3A_185 = arith.addf %add3A_180, %add3A_184 : vector<2048x64xf32>
    %ge3A = arith.constant 0.000000e+00 : f32
    %ge3A_186 = vector.broadcast %ge3A : f32 to vector<2048x64xf32>
    %ge3A_187 = arith.cmpf oge, %add3A_185, %ge3A_186 : vector<2048x64xf32>
    %mul3A_188 = arith.constant 1.000000e-01 : f32
    %mul3A_189 = vector.broadcast %mul3A_188 : f32 to vector<2048x64xf32>
    %mul3A_190 = arith.mulf %mul3A_189, %add3A_185 : vector<2048x64xf32>
    %select_n3A_191 = arith.select %ge3A_187, %add3A_185, %mul3A_190 : vector<2048x64xi1>, vector<2048x64xf32>
    %swap3A = arith.constant 0 : index
    %swap3A_192 = arith.constant 0 : index
    %swap3A_193 = vector.load %arg4[%swap3A, %swap3A_192] : memref<2048x64xf32, #tpu.memory_space<vmem>>, vector<2048x64xf32>
    tpu.vector_store %arg4[%swap3A, %swap3A_192], %select_n3A_191 {strides = array<i32>} : memref<2048x64xf32, #tpu.memory_space<vmem>>, vector<2048x64xf32>,
    return
  }
  func.func @transform_0(%arg0: i32) -> (i32, i32) {
    %c0_i32 = arith.constant 0 : i32
    %c0_i32_0 = arith.constant 0 : i32
    %c0_i32_1 = arith.constant 0 : i32
    return %c0_i32, %c0_i32_0 : i32, i32
  }
  func.func @transform_1(%arg0: i32) -> (i32, i32, i32) {
    %c0_i32 = arith.constant 0 : i32
    %c0_i32_0 = arith.constant 0 : i32
    %c0_i32_1 = arith.constant 0 : i32
    %c0_i32_2 = arith.constant 0 : i32
    return %c0_i32, %c0_i32_0, %c0_i32_1 : i32, i32, i32
  }
  func.func @transform_2(%arg0: i32) -> (i32, i32) {
    %c0_i32 = arith.constant 0 : i32
    %c0_i32_0 = arith.constant 0 : i32
    %c0_i32_1 = arith.constant 0 : i32
    return %c0_i32, %c0_i32_0 : i32, i32
  }
  func.func @transform_3(%arg0: i32) -> (i32, i32) {
    %c0_i32 = arith.constant 0 : i32
    %c0_i32_0 = arith.constant 0 : i32
    return %arg0, %c0_i32 : i32, i32
  }
}

module attributes {stable_mosaic.version = 14 : i64} {
  func.func @_conv_body(%arg0: i32, %arg1: memref<16896x64xf32, #tpu.memory_space<vmem>>, %arg2: memref<9x64x144xf32, #tpu.memory_space<vmem>>, %arg3: memref<1x144xf32, #tpu.memory_space<vmem>>, %arg4: memref<2048x144xf32, #tpu.memory_space<vmem>>) attributes {dimension_semantics = [#tpu.dimension_semantics<arbitrary>], iteration_bounds = array<i64: 8>, scalar_prefetch = 0 : i64, scratch_operands = 0 : i64, tpu.core_type = #tpu.core_type<tc>, window_params = [{pipeline_mode = #tpu.pipeline_mode<synchronous>, transform_indices = @transform_0, window_bounds = array<i64: 16896, 64>}, {pipeline_mode = #tpu.pipeline_mode<synchronous>, transform_indices = @transform_1, window_bounds = array<i64: 9, 64, 144>}, {pipeline_mode = #tpu.pipeline_mode<synchronous>, transform_indices = @transform_2, window_bounds = array<i64: 1, 144>}, {transform_indices = @transform_3, window_bounds = array<i64: 2048, 144>}]} {
    %mul3A = arith.constant 2048 : i32
    %mul3A_0 = arith.muli %arg0, %mul3A : i32
    %add3A = arith.constant 256 : i32
    %add3A_1 = arith.addi %add3A, %mul3A_0 : i32
    %iota3A = tpu.iota {dimensions = array<i32: 0>} : vector<2048x1xi32>
    %jit3A = arith.constant 128 : i32
    %eq3A = arith.constant 0 : i32
    %eq3A_2 = arith.cmpi eq, %jit3A, %eq3A : i32
    %jit3A_3 = arith.constant 1 : i32
    %select_n3A = arith.select %eq3A_2, %jit3A_3, %jit3A : i32
    %rem3A = vector.broadcast %select_n3A : i32 to vector<2048x1xi32>
    %rem3A_4 = arith.remsi %iota3A, %rem3A : vector<2048x1xi32>
    %ne3A = arith.constant 0 : i32
    %ne3A_5 = vector.broadcast %ne3A : i32 to vector<2048x1xi32>
    %ne3A_6 = arith.cmpi ne, %rem3A_4, %ne3A_5 : vector<2048x1xi32>
    %lt3A = arith.constant 0 : i32
    %lt3A_7 = vector.broadcast %lt3A : i32 to vector<2048x1xi32>
    %lt3A_8 = arith.cmpi slt, %rem3A_4, %lt3A_7 : vector<2048x1xi32>
    %lt3A_9 = arith.constant 0 : i32
    %lt3A_10 = arith.cmpi slt, %select_n3A, %lt3A_9 : i32
    %ne3A_11 = vector.broadcast %lt3A_10 : i1 to vector<2048x1xi1>
    %ne3A_12 = vector.broadcast %ne3A_11 : vector<2048x1xi1> to vector<2048x1xi1>
    %ne3A_13 = arith.xori %lt3A_8, %ne3A_12 : vector<2048x1xi1>
    %and3A = arith.andi %ne3A_13, %ne3A_6 : vector<2048x1xi1>
    %add3A_14 = vector.broadcast %select_n3A : i32 to vector<2048x1xi32>
    %add3A_15 = arith.addi %rem3A_4, %add3A_14 : vector<2048x1xi32>
    %select_n3A_16 = arith.select %and3A, %add3A_15, %rem3A_4 : vector<2048x1xi1>, vector<2048x1xi32>
    %broadcast_in_dim3A = arith.constant 0.000000e+00 : f32
    %broadcast_in_dim3A_17 = vector.broadcast %broadcast_in_dim3A : f32 to vector<2048x144xf32>
    %add3A_18 = arith.constant -129 : i32
    %add3A_19 = arith.addi %add3A_1, %add3A_18 : i32
    %get3A = arith.index_cast %add3A_19 : i32 to index
    %get3A_20 = arith.constant 0 : index
    %get3A_21 = vector.load %arg1[%get3A, %get3A_20] : memref<16896x64xf32, #tpu.memory_space<vmem>>, vector<2048x64xf32>
    %eq3A_22 = arith.constant 0 : i32
    %eq3A_23 = vector.broadcast %eq3A_22 : i32 to vector<2048x1xi32>
    %eq3A_24 = arith.cmpi eq, %select_n3A_16, %eq3A_23 : vector<2048x1xi32>
    %jit3A_25 = arith.constant 0.000000e+00 : f32
    %broadcast_in_dim3A_26 = vector.shape_cast %eq3A_24 : vector<2048x1xi1> to vector<2048x1xi1>
    %broadcast_in_dim3A_27 = vector.broadcast %broadcast_in_dim3A_26 : vector<2048x1xi1> to vector<2048x64xi1>
    %broadcast_in_dim3A_28 = vector.broadcast %jit3A_25 : f32 to vector<2048x64xf32>
    %select_n3A_29 = arith.select %broadcast_in_dim3A_27, %broadcast_in_dim3A_28, %get3A_21 : vector<2048x64xi1>, vector<2048x64xf32>
    %get3A_30 = arith.constant 0 : index
    %get3A_31 = arith.constant 0 : index
    %get3A_32 = arith.constant 0 : index
    %get3A_33 = vector.load %arg2[%get3A_30, %get3A_31, %get3A_32] : memref<9x64x144xf32, #tpu.memory_space<vmem>>, vector<1x64x144xf32>
    %get3A_34 = vector.shape_cast %get3A_33 : vector<1x64x144xf32> to vector<64x144xf32>
    %dot_general3A = arith.constant dense<0.000000e+00> : vector<2048x144xf32>
    %dot_general3A_35 = tpu.matmul %select_n3A_29, %get3A_34, %dot_general3A {dimension_numbers = #tpu.dot_dimension_numbers<[1], [0], [0], [1], [0, 0, 1, 1], [], []>, transpose_lhs_hint = false} : vector<2048x64xf32>, vector<64x144xf32>, vector<2048x144xf32> -> vector<2048x144xf32>
    %add3A_36 = arith.addf %broadcast_in_dim3A_17, %dot_general3A_35 : vector<2048x144xf32>
    %add3A_37 = arith.constant -128 : i32
    %add3A_38 = arith.addi %add3A_1, %add3A_37 : i32
    %get3A_39 = arith.index_cast %add3A_38 : i32 to index
    %get3A_40 = arith.constant 0 : index
    %get3A_41 = vector.load %arg1[%get3A_39, %get3A_40] : memref<16896x64xf32, #tpu.memory_space<vmem>>, vector<2048x64xf32>
    %get3A_42 = arith.constant 1 : index
    %get3A_43 = arith.constant 0 : index
    %get3A_44 = arith.constant 0 : index
    %get3A_45 = vector.load %arg2[%get3A_42, %get3A_43, %get3A_44] : memref<9x64x144xf32, #tpu.memory_space<vmem>>, vector<1x64x144xf32>
    %get3A_46 = vector.shape_cast %get3A_45 : vector<1x64x144xf32> to vector<64x144xf32>
    %dot_general3A_47 = arith.constant dense<0.000000e+00> : vector<2048x144xf32>
    %dot_general3A_48 = tpu.matmul %get3A_41, %get3A_46, %dot_general3A_47 {dimension_numbers = #tpu.dot_dimension_numbers<[1], [0], [0], [1], [0, 0, 1, 1], [], []>, transpose_lhs_hint = false} : vector<2048x64xf32>, vector<64x144xf32>, vector<2048x144xf32> -> vector<2048x144xf32>
    %add3A_49 = arith.addf %add3A_36, %dot_general3A_48 : vector<2048x144xf32>
    %add3A_50 = arith.constant -127 : i32
    %add3A_51 = arith.addi %add3A_1, %add3A_50 : i32
    %get3A_52 = arith.index_cast %add3A_51 : i32 to index
    %get3A_53 = arith.constant 0 : index
    %get3A_54 = vector.load %arg1[%get3A_52, %get3A_53] : memref<16896x64xf32, #tpu.memory_space<vmem>>, vector<2048x64xf32>
    %eq3A_55 = arith.constant 127 : i32
    %eq3A_56 = vector.broadcast %eq3A_55 : i32 to vector<2048x1xi32>
    %eq3A_57 = arith.cmpi eq, %select_n3A_16, %eq3A_56 : vector<2048x1xi32>
    %jit3A_58 = arith.constant 0.000000e+00 : f32
    %broadcast_in_dim3A_59 = vector.shape_cast %eq3A_57 : vector<2048x1xi1> to vector<2048x1xi1>
    %broadcast_in_dim3A_60 = vector.broadcast %broadcast_in_dim3A_59 : vector<2048x1xi1> to vector<2048x64xi1>
    %broadcast_in_dim3A_61 = vector.broadcast %jit3A_58 : f32 to vector<2048x64xf32>
    %select_n3A_62 = arith.select %broadcast_in_dim3A_60, %broadcast_in_dim3A_61, %get3A_54 : vector<2048x64xi1>, vector<2048x64xf32>
    %get3A_63 = arith.constant 2 : index
    %get3A_64 = arith.constant 0 : index
    %get3A_65 = arith.constant 0 : index
    %get3A_66 = vector.load %arg2[%get3A_63, %get3A_64, %get3A_65] : memref<9x64x144xf32, #tpu.memory_space<vmem>>, vector<1x64x144xf32>
    %get3A_67 = vector.shape_cast %get3A_66 : vector<1x64x144xf32> to vector<64x144xf32>
    %dot_general3A_68 = arith.constant dense<0.000000e+00> : vector<2048x144xf32>
    %dot_general3A_69 = tpu.matmul %select_n3A_62, %get3A_67, %dot_general3A_68 {dimension_numbers = #tpu.dot_dimension_numbers<[1], [0], [0], [1], [0, 0, 1, 1], [], []>, transpose_lhs_hint = false} : vector<2048x64xf32>, vector<64x144xf32>, vector<2048x144xf32> -> vector<2048x144xf32>
    %add3A_70 = arith.addf %add3A_49, %dot_general3A_69 : vector<2048x144xf32>
    %add3A_71 = arith.constant -1 : i32
    %add3A_72 = arith.addi %add3A_1, %add3A_71 : i32
    %get3A_73 = arith.index_cast %add3A_72 : i32 to index
    %get3A_74 = arith.constant 0 : index
    %get3A_75 = vector.load %arg1[%get3A_73, %get3A_74] : memref<16896x64xf32, #tpu.memory_space<vmem>>, vector<2048x64xf32>
    %eq3A_76 = arith.constant 0 : i32
    %eq3A_77 = vector.broadcast %eq3A_76 : i32 to vector<2048x1xi32>
    %eq3A_78 = arith.cmpi eq, %select_n3A_16, %eq3A_77 : vector<2048x1xi32>
    %jit3A_79 = arith.constant 0.000000e+00 : f32
    %broadcast_in_dim3A_80 = vector.shape_cast %eq3A_78 : vector<2048x1xi1> to vector<2048x1xi1>
    %broadcast_in_dim3A_81 = vector.broadcast %broadcast_in_dim3A_80 : vector<2048x1xi1> to vector<2048x64xi1>
    %broadcast_in_dim3A_82 = vector.broadcast %jit3A_79 : f32 to vector<2048x64xf32>
    %select_n3A_83 = arith.select %broadcast_in_dim3A_81, %broadcast_in_dim3A_82, %get3A_75 : vector<2048x64xi1>, vector<2048x64xf32>
    %get3A_84 = arith.constant 3 : index
    %get3A_85 = arith.constant 0 : index
    %get3A_86 = arith.constant 0 : index
    %get3A_87 = vector.load %arg2[%get3A_84, %get3A_85, %get3A_86] : memref<9x64x144xf32, #tpu.memory_space<vmem>>, vector<1x64x144xf32>
    %get3A_88 = vector.shape_cast %get3A_87 : vector<1x64x144xf32> to vector<64x144xf32>
    %dot_general3A_89 = arith.constant dense<0.000000e+00> : vector<2048x144xf32>
    %dot_general3A_90 = tpu.matmul %select_n3A_83, %get3A_88, %dot_general3A_89 {dimension_numbers = #tpu.dot_dimension_numbers<[1], [0], [0], [1], [0, 0, 1, 1], [], []>, transpose_lhs_hint = false} : vector<2048x64xf32>, vector<64x144xf32>, vector<2048x144xf32> -> vector<2048x144xf32>
    %add3A_91 = arith.addf %add3A_70, %dot_general3A_90 : vector<2048x144xf32>
    %add3A_92 = arith.constant 0 : i32
    %add3A_93 = arith.addi %add3A_1, %add3A_92 : i32
    %get3A_94 = arith.index_cast %add3A_93 : i32 to index
    %get3A_95 = arith.constant 0 : index
    %get3A_96 = vector.load %arg1[%get3A_94, %get3A_95] : memref<16896x64xf32, #tpu.memory_space<vmem>>, vector<2048x64xf32>
    %get3A_97 = arith.constant 4 : index
    %get3A_98 = arith.constant 0 : index
    %get3A_99 = arith.constant 0 : index
    %get3A_100 = vector.load %arg2[%get3A_97, %get3A_98, %get3A_99] : memref<9x64x144xf32, #tpu.memory_space<vmem>>, vector<1x64x144xf32>
    %get3A_101 = vector.shape_cast %get3A_100 : vector<1x64x144xf32> to vector<64x144xf32>
    %dot_general3A_102 = arith.constant dense<0.000000e+00> : vector<2048x144xf32>
    %dot_general3A_103 = tpu.matmul %get3A_96, %get3A_101, %dot_general3A_102 {dimension_numbers = #tpu.dot_dimension_numbers<[1], [0], [0], [1], [0, 0, 1, 1], [], []>, transpose_lhs_hint = false} : vector<2048x64xf32>, vector<64x144xf32>, vector<2048x144xf32> -> vector<2048x144xf32>
    %add3A_104 = arith.addf %add3A_91, %dot_general3A_103 : vector<2048x144xf32>
    %add3A_105 = arith.constant 1 : i32
    %add3A_106 = arith.addi %add3A_1, %add3A_105 : i32
    %get3A_107 = arith.index_cast %add3A_106 : i32 to index
    %get3A_108 = arith.constant 0 : index
    %get3A_109 = vector.load %arg1[%get3A_107, %get3A_108] : memref<16896x64xf32, #tpu.memory_space<vmem>>, vector<2048x64xf32>
    %eq3A_110 = arith.constant 127 : i32
    %eq3A_111 = vector.broadcast %eq3A_110 : i32 to vector<2048x1xi32>
    %eq3A_112 = arith.cmpi eq, %select_n3A_16, %eq3A_111 : vector<2048x1xi32>
    %jit3A_113 = arith.constant 0.000000e+00 : f32
    %broadcast_in_dim3A_114 = vector.shape_cast %eq3A_112 : vector<2048x1xi1> to vector<2048x1xi1>
    %broadcast_in_dim3A_115 = vector.broadcast %broadcast_in_dim3A_114 : vector<2048x1xi1> to vector<2048x64xi1>
    %broadcast_in_dim3A_116 = vector.broadcast %jit3A_113 : f32 to vector<2048x64xf32>
    %select_n3A_117 = arith.select %broadcast_in_dim3A_115, %broadcast_in_dim3A_116, %get3A_109 : vector<2048x64xi1>, vector<2048x64xf32>
    %get3A_118 = arith.constant 5 : index
    %get3A_119 = arith.constant 0 : index
    %get3A_120 = arith.constant 0 : index
    %get3A_121 = vector.load %arg2[%get3A_118, %get3A_119, %get3A_120] : memref<9x64x144xf32, #tpu.memory_space<vmem>>, vector<1x64x144xf32>
    %get3A_122 = vector.shape_cast %get3A_121 : vector<1x64x144xf32> to vector<64x144xf32>
    %dot_general3A_123 = arith.constant dense<0.000000e+00> : vector<2048x144xf32>
    %dot_general3A_124 = tpu.matmul %select_n3A_117, %get3A_122, %dot_general3A_123 {dimension_numbers = #tpu.dot_dimension_numbers<[1], [0], [0], [1], [0, 0, 1, 1], [], []>, transpose_lhs_hint = false} : vector<2048x64xf32>, vector<64x144xf32>, vector<2048x144xf32> -> vector<2048x144xf32>
    %add3A_125 = arith.addf %add3A_104, %dot_general3A_124 : vector<2048x144xf32>
    %add3A_126 = arith.constant 127 : i32
    %add3A_127 = arith.addi %add3A_1, %add3A_126 : i32
    %get3A_128 = arith.index_cast %add3A_127 : i32 to index
    %get3A_129 = arith.constant 0 : index
    %get3A_130 = vector.load %arg1[%get3A_128, %get3A_129] : memref<16896x64xf32, #tpu.memory_space<vmem>>, vector<2048x64xf32>
    %eq3A_131 = arith.constant 0 : i32
    %eq3A_132 = vector.broadcast %eq3A_131 : i32 to vector<2048x1xi32>
    %eq3A_133 = arith.cmpi eq, %select_n3A_16, %eq3A_132 : vector<2048x1xi32>
    %jit3A_134 = arith.constant 0.000000e+00 : f32
    %broadcast_in_dim3A_135 = vector.shape_cast %eq3A_133 : vector<2048x1xi1> to vector<2048x1xi1>
    %broadcast_in_dim3A_136 = vector.broadcast %broadcast_in_dim3A_135 : vector<2048x1xi1> to vector<2048x64xi1>
    %broadcast_in_dim3A_137 = vector.broadcast %jit3A_134 : f32 to vector<2048x64xf32>
    %select_n3A_138 = arith.select %broadcast_in_dim3A_136, %broadcast_in_dim3A_137, %get3A_130 : vector<2048x64xi1>, vector<2048x64xf32>
    %get3A_139 = arith.constant 6 : index
    %get3A_140 = arith.constant 0 : index
    %get3A_141 = arith.constant 0 : index
    %get3A_142 = vector.load %arg2[%get3A_139, %get3A_140, %get3A_141] : memref<9x64x144xf32, #tpu.memory_space<vmem>>, vector<1x64x144xf32>
    %get3A_143 = vector.shape_cast %get3A_142 : vector<1x64x144xf32> to vector<64x144xf32>
    %dot_general3A_144 = arith.constant dense<0.000000e+00> : vector<2048x144xf32>
    %dot_general3A_145 = tpu.matmul %select_n3A_138, %get3A_143, %dot_general3A_144 {dimension_numbers = #tpu.dot_dimension_numbers<[1], [0], [0], [1], [0, 0, 1, 1], [], []>, transpose_lhs_hint = false} : vector<2048x64xf32>, vector<64x144xf32>, vector<2048x144xf32> -> vector<2048x144xf32>
    %add3A_146 = arith.addf %add3A_125, %dot_general3A_145 : vector<2048x144xf32>
    %add3A_147 = arith.constant 128 : i32
    %add3A_148 = arith.addi %add3A_1, %add3A_147 : i32
    %get3A_149 = arith.index_cast %add3A_148 : i32 to index
    %get3A_150 = arith.constant 0 : index
    %get3A_151 = vector.load %arg1[%get3A_149, %get3A_150] : memref<16896x64xf32, #tpu.memory_space<vmem>>, vector<2048x64xf32>
    %get3A_152 = arith.constant 7 : index
    %get3A_153 = arith.constant 0 : index
    %get3A_154 = arith.constant 0 : index
    %get3A_155 = vector.load %arg2[%get3A_152, %get3A_153, %get3A_154] : memref<9x64x144xf32, #tpu.memory_space<vmem>>, vector<1x64x144xf32>
    %get3A_156 = vector.shape_cast %get3A_155 : vector<1x64x144xf32> to vector<64x144xf32>
    %dot_general3A_157 = arith.constant dense<0.000000e+00> : vector<2048x144xf32>
    %dot_general3A_158 = tpu.matmul %get3A_151, %get3A_156, %dot_general3A_157 {dimension_numbers = #tpu.dot_dimension_numbers<[1], [0], [0], [1], [0, 0, 1, 1], [], []>, transpose_lhs_hint = false} : vector<2048x64xf32>, vector<64x144xf32>, vector<2048x144xf32> -> vector<2048x144xf32>
    %add3A_159 = arith.addf %add3A_146, %dot_general3A_158 : vector<2048x144xf32>
    %add3A_160 = arith.constant 129 : i32
    %add3A_161 = arith.addi %add3A_1, %add3A_160 : i32
    %get3A_162 = arith.index_cast %add3A_161 : i32 to index
    %get3A_163 = arith.constant 0 : index
    %get3A_164 = vector.load %arg1[%get3A_162, %get3A_163] : memref<16896x64xf32, #tpu.memory_space<vmem>>, vector<2048x64xf32>
    %eq3A_165 = arith.constant 127 : i32
    %eq3A_166 = vector.broadcast %eq3A_165 : i32 to vector<2048x1xi32>
    %eq3A_167 = arith.cmpi eq, %select_n3A_16, %eq3A_166 : vector<2048x1xi32>
    %jit3A_168 = arith.constant 0.000000e+00 : f32
    %broadcast_in_dim3A_169 = vector.shape_cast %eq3A_167 : vector<2048x1xi1> to vector<2048x1xi1>
    %broadcast_in_dim3A_170 = vector.broadcast %broadcast_in_dim3A_169 : vector<2048x1xi1> to vector<2048x64xi1>
    %broadcast_in_dim3A_171 = vector.broadcast %jit3A_168 : f32 to vector<2048x64xf32>
    %select_n3A_172 = arith.select %broadcast_in_dim3A_170, %broadcast_in_dim3A_171, %get3A_164 : vector<2048x64xi1>, vector<2048x64xf32>
    %get3A_173 = arith.constant 8 : index
    %get3A_174 = arith.constant 0 : index
    %get3A_175 = arith.constant 0 : index
    %get3A_176 = vector.load %arg2[%get3A_173, %get3A_174, %get3A_175] : memref<9x64x144xf32, #tpu.memory_space<vmem>>, vector<1x64x144xf32>
    %get3A_177 = vector.shape_cast %get3A_176 : vector<1x64x144xf32> to vector<64x144xf32>
    %dot_general3A_178 = arith.constant dense<0.000000e+00> : vector<2048x144xf32>
    %dot_general3A_179 = tpu.matmul %select_n3A_172, %get3A_177, %dot_general3A_178 {dimension_numbers = #tpu.dot_dimension_numbers<[1], [0], [0], [1], [0, 0, 1, 1], [], []>, transpose_lhs_hint = false} : vector<2048x64xf32>, vector<64x144xf32>, vector<2048x144xf32> -> vector<2048x144xf32>
    %add3A_180 = arith.addf %add3A_159, %dot_general3A_179 : vector<2048x144xf32>
    %get3A_181 = arith.constant 0 : index
    %get3A_182 = arith.constant 0 : index
    %get3A_183 = vector.load %arg3[%get3A_181, %get3A_182] : memref<1x144xf32, #tpu.memory_space<vmem>>, vector<1x144xf32>
    %add3A_184 = vector.broadcast %get3A_183 : vector<1x144xf32> to vector<2048x144xf32>
    %add3A_185 = arith.addf %add3A_180, %add3A_184 : vector<2048x144xf32>
    %swap3A = arith.constant 0 : index
    %swap3A_186 = arith.constant 0 : index
    %swap3A_187 = vector.load %arg4[%swap3A, %swap3A_186] : memref<2048x144xf32, #tpu.memory_space<vmem>>, vector<2048x144xf32>
    tpu.vector_store %arg4[%swap3A, %swap3A_186], %add3A_185 {strides = array<i32>} : memref<2048x144xf32, #tpu.memory_space<vmem>>, vector<2048x144xf32>,
    return
  }
  func.func @transform_0(%arg0: i32) -> (i32, i32) {
    %c0_i32 = arith.constant 0 : i32
    %c0_i32_0 = arith.constant 0 : i32
    %c0_i32_1 = arith.constant 0 : i32
    return %c0_i32, %c0_i32_0 : i32, i32
  }
  func.func @transform_1(%arg0: i32) -> (i32, i32, i32) {
    %c0_i32 = arith.constant 0 : i32
    %c0_i32_0 = arith.constant 0 : i32
    %c0_i32_1 = arith.constant 0 : i32
    %c0_i32_2 = arith.constant 0 : i32
    return %c0_i32, %c0_i32_0, %c0_i32_1 : i32, i32, i32
  }
  func.func @transform_2(%arg0: i32) -> (i32, i32) {
    %c0_i32 = arith.constant 0 : i32
    %c0_i32_0 = arith.constant 0 : i32
    %c0_i32_1 = arith.constant 0 : i32
    return %c0_i32, %c0_i32_0 : i32, i32
  }
  func.func @transform_3(%arg0: i32) -> (i32, i32) {
    %c0_i32 = arith.constant 0 : i32
    %c0_i32_0 = arith.constant 0 : i32
    return %arg0, %c0_i32 : i32, i32
  }
}

</mosaic_0001>

<sc_bundles>
// kernel: gather_offload_async_start
scs
__scs_entry_jumppad:
0x0: {  	(pc) =	sbr.rel $0x88, $3  }
0x1: {  	(tag) =	ssettag $0x0;
	lr =	simm.s32 $0x1  }
0x2: {  	[smem:$0x3F98] =	sst lr;
	_ =	strace $0xD0000000  }
0x3: {  	_ = 	snop  }
0x4: {  	_ = 	snop  }
0x5: {  	_ = 	snop  }
0x6: {  	_ = 	snop  }
0x7: {  	_ = 	snop  }
__scs_overlays_trampoline_lowered:
0x8: {  	[smem:$0x3FA7] =	sst s0  }
0x9: {  	[smem:$0x3FA8] =	sst s1  }
0xa: {  	[smem:$0x3FA9] =	sst s2  }
0xb: {  	[smem:$0x3FAA] =	sst s3  }
0xc: {  	[smem:$0x3FAB] =	sst s4  }
0xd: {  	[smem:$0x3FAC] =	sst s5  }
0xe: {  	[smem:$0x3FAD] =	sst s6  }
0xf: {  	[smem:$0x3FAE] =	sst s7  }
0x10: {  	[smem:$0x3FAF] =	sst s8  }
0x11: {  	[smem:$0x3FB0] =	sst s9;
	s0 =	simm.s32 @!p0 $0x0  }
0x12: {  	s1 =	sld [smem:$0x3F96];
	s0 =	simm.s32 @p0 $0x1  }
0x13: {  	[smem:$0x3FB1] =	sst s0;
	s0 =	simm.s32 @!p1 $0x0  }
0x14: {  	s2 =	sld [smem:$0x3F95];
	s0 =	simm.s32 @p1 $0x1  }
0x15: {  	[smem:$0x3FB2] =	sst s0;
	s0 =	simm.s32 @!p2 $0x0  }
0x16: {  	s3 =	sld [smem:$0x3FDB];
	s0 =	simm.s32 @p2 $0x1  }
0x17: {  	s4 =	simm.s32 $0x1BF5;
	[smem:$0x3FB4] =	sst s0  }
0x18: {  	s0 =	sld [smem:$0x3F97];
	_ =	swait.ge [sflag:s4], $0x0  }
0x19: {  	s7 =	sld [smem:$0x3F98]  }
0x1a: {  	s8 =	sadd.s32 $0xFFFFE003, lr  }
0x1b: {  	s9 =	sadd.s32 $0xFFFFFEF7, lr;
	s5 =	simm.s32 $0xFFFFFFFF;
	p2 =	slt.u32 s8, $0xFFFFF086  }
0x1c: {  	p1 =	slt.u32 s9, $0xF7A;
	s5 =	simm.s32 @!p2 $0x0  }
0x1d: {  	s5 =	simm.s32 @p1 $0x1;
	p0 =	seq.s32 s7, s2  }
0x1e: {  	s7 =	smul.u32 @!p0 $0xF7A, s2;
	p2 =	seq.s32 @!p0 s5, $0x0  }
0x1f: {  	s9 =	smul.u32 $0xF7A, s1;
	s8 =	simm.s32 @!p0 $0x1BF5;
	p2 =	por !p2, p0  }
0x20: {  	[sflag:s8] =	ssyncset.s32 @!p0 $0xFFFFF086;
	s6 =	sadd.s32 @!p0 s3, s7;
	s7 =	simm.s32 @!p0 $0x108  }
0x21: {  	s3 =	sadd.s32 s3, s9;
	s6 =	sadd.s32 @!p0 $0x88, s6;
	s7 =	simm.s32 @p2 $0x1082  }
0x22: {  	[simem:s7], [sflag:s8] =	dma.local @!p0 [hbm:s6], $0xF7A  }
0x23: {  	s9 =	sor.u32 $0xD0000000, s2;
	s6 =	simm.s32 $0x108;
	_ =	swait.ge @!p0 [sflag:s8], $0x0  }
0x24: {  	s3 =	sadd.s32 $0x88, s3;
	s6 =	simm.s32 @!p1 $0x1082;
	[sflag:s4] =	ssyncset.s32 $0xFFFFF086  }
0x25: {  	[simem:s6], [sflag:s4] =	dma.local [hbm:s3], $0xF7A  }
0x26: {  	[smem:$0x3F98] =	sst s1;
	(tag) =	ssettag s2;
	_ =	strace s9  }
0x27: {  	s1 =	sld [smem:$0x3FA8]  }
0x28: {  	s2 =	sld [smem:$0x3FA9]  }
0x29: {  	s4 =	sld [smem:$0x3FAB]  }
0x2a: {  	p0 =	seq.s32 s5, $0x0;
	s5 =	sld [smem:$0x3FAC]  }
0x2b: {  	s6 =	sld [smem:$0x3FAD]  }
0x2c: {  	s7 =	sld [smem:$0x3FAE]  }
0x2d: {  	s3 =	simm.s32 $0x108;
	s8 =	sld [smem:$0x3FAF]  }
0x2e: {  	s3 =	simm.s32 @!p0 $0x1082;
	s9 =	sld [smem:$0x3FB0]  }
0x2f: {  	lr =	sadd.s32 s0, s3;
	s0 =	sld [smem:$0x3FA7]  }
0x30: {  	s3 =	sld [smem:$0x3FAA]  }
0x31: {  	[smem:$0x3FB3] =	sst s10  }
0x32: {  	s10 =	sld [smem:$0x3FB1];
	_ =	sdelay $0x3  }
0x33: {  	p0 =	seq.s32 s10, $0x1;
	s10 =	sld [smem:$0x3FB3];
	_ =	sdelay $0x3  }
0x34: {  	[smem:$0x3FB3] =	sst s10  }
0x35: {  	s10 =	sld [smem:$0x3FB2];
	_ =	sdelay $0x3  }
0x36: {  	p1 =	seq.s32 s10, $0x1;
	s10 =	sld [smem:$0x3FB3];
	_ =	sdelay $0x3  }
0x37: {  	[smem:$0x3FB3] =	sst s10  }
0x38: {  	s10 =	sld [smem:$0x3FB4]  }
0x39: {  	_ = 	snop;
	(pc) =	sbr.ind lr, $3  }
0x3a: {  	_ = 	snop  }
0x3b: {  	_ = 	snop  }
0x3c: {  	p2 =	seq.s32 s10, $0x1;
	s10 =	sld [smem:$0x3FB3]  }
0x3d: {  	_ =	shalt  }
0x3e: {  	_ =	shalt  }
0x3f: {  	_ =	shalt  }
0x40: {  	_ =	shalt  }
0x41: {  	_ =	shalt  }
0x42: {  	_ =	shalt  }
0x43: {  	_ =	shalt  }
0x44: {  	_ =	shalt  }
0x45: {  	_ =	shalt  }
0x46: {  	_ =	shalt  }
0x47: {  	_ =	shalt  }
0x48: {  	_ =	shalt  }
0x49: {  	_ =	shalt  }
0x4a: {  	_ =	shalt  }
0x4b: {  	_ =	shalt  }
0x4c: {  	_ =	shalt  }
0x4d: {  	_ =	shalt  }
0x4e: {  	_ =	shalt  }
0x4f: {  	_ =	shalt  }
0x50: {  	_ =	shalt  }
0x51: {  	_ =	shalt  }
0x52: {  	_ =	shalt  }
0x53: {  	_ =	shalt  }
0x54: {  	_ =	shalt  }
0x55: {  	_ =	shalt  }
0x56: {  	_ =	shalt  }
0x57: {  	_ =	shalt  }
0x58: {  	_ =	shalt  }
0x59: {  	_ =	shalt  }
0x5a: {  	_ =	shalt  }
0x5b: {  	_ =	shalt  }
0x5c: {  	_ =	shalt  }
0x5d: {  	_ =	shalt  }
0x5e: {  	_ =	shalt  }
0x5f: {  	_ =	shalt  }
0x60: {  	_ =	shalt  }
0x61: {  	_ =	shalt  }
0x62: {  	_ =	shalt  }
0x63: {  	_ =	shalt  }
0x64: {  	_ =	shalt  }
0x65: {  	_ =	shalt  }
0x66: {  	_ =	shalt  }
0x67: {  	_ =	shalt  }
0x68: {  	_ =	shalt  }
0x69: {  	_ =	shalt  }
0x6a: {  	_ =	shalt  }
0x6b: {  	_ =	shalt  }
0x6c: {  	_ =	shalt  }
0x6d: {  	_ =	shalt  }
0x6e: {  	_ =	shalt  }
0x6f: {  	_ =	shalt  }
0x70: {  	_ =	shalt  }
0x71: {  	_ =	shalt  }
0x72: {  	_ =	shalt  }
0x73: {  	_ =	shalt  }
0x74: {  	_ =	shalt  }
0x75: {  	_ =	shalt  }
0x76: {  	_ =	shalt  }
0x77: {  	_ =	shalt  }
0x78: {  	_ =	shalt  }
0x79: {  	_ =	shalt  }
0x7a: {  	_ =	shalt  }
0x7b: {  	_ =	shalt  }
0x7c: {  	_ =	shalt  }
0x7d: {  	_ =	shalt  }
0x7e: {  	_ =	shalt  }
0x7f: {  	_ =	shalt  }
0x80: {  	_ =	shalt  }
0x81: {  	_ =	shalt  }
0x82: {  	_ =	shalt  }
0x83: {  	_ =	shalt  }
0x84: {  	_ =	shalt  }
0x85: {  	_ =	shalt  }
0x86: {  	_ =	shalt  }
0x87: {  	_ =	shalt  }
.Lfunc_end0:
.L_simem_size_0:
called_computation.1_lowered:
.L_overlay_start_0:
0x88: {  	s2 =	sld [smem:$0x3FD9]  }
0x89: {  	s3 =	sld [smem:$0x3FFE];
	_ =	sdelay $0x1  }
0x8a: {  	s1 =	srdreg.scid  }
0x8b: {  	s0 =	sand.u32 $0x1, s1  }
0x8c: {  	s16 =	sshll.u32 s0, $0xA;
	s2 =	sadd.s32 s3, s2  }
0x8d: {  	s2 =	sadd.s32 s2, s16  }
0x8e: {  	[smem:$0x3FBF] =	sst s2  }
0x8f: {  	_ = 	snop  }
0x90: {  	(tm) =	ssettm $0x1  }
0x91: {  	s17 =	sld [smem:$0x3FFB];
	_ =	sdelay $0x3  }
0x92: {  	_ =	strace s17  }
0x93: {  	s2 =	sld [smem:$0x3FFC];
	_ =	sdelay $0x3  }
0x94: {  	_ =	strace s2  }
0x95: {  	s2 =	sld [smem:$0x3FFD];
	_ =	sdelay $0x3  }
0x96: {  	_ =	strace s2  }
0x97: {  	_ =	strace $0x8FFFFFFF  }
0x98: {  	s18 =	sld [smem:$0x3FDB];
	_ =	sdelay $0x1  }
0x99: {  	s19 =	simm.s32 $_scs_section_size  }
0x9a: {  	s4 =	simm.s32 $_size__tile_overlayer_lowered;
	s5 =	simm.s32 $_tile_overlayer_lowered  }
0x9b: {  	s22 =	simm.s32 $0x1BFF;
	s21 =	sshll.u32 s5, $0x1;
	s2 =	sadd.s32 s19, s18  }
0x9c: {  	s6 =	simm.s32 $0x0;
	s20 =	sshll.u32 s4, $0x1;
	s4 =	sadd.s32 s21, s2  }
0x9d: {  	[timem:s6], [sflag:s22] =	dma.local [hbm:s4], s20  }
0x9e: {  	_ =	swait.ge [sflag:s22], s20  }
0x9f: {  	s3 =	ssub.s32 $0x0, s20;
	[sflag:s22] =	ssyncset.done $0x0  }
0xa0: {  	[sflag:s22] =	ssyncadd.s32 s3;
	_ =	sdelay $0x1  }
0xa1: {  	s23 =	simm.s32 $0x1B8B  }
0xa2: {  	_ =	swait.ge [sflag:s23], $0x1  }
0xa3: {  	[sflag:s23] =	ssyncset.done $0x0  }
0xa4: {  	s25 =	simm.s32 $0x1B8E;
	s24 =	sld [smem:$0x3FFE];
	[sflag:s23] =	ssyncadd.s32 $0xFFFFFFFF  }
0xa5: {  	s26 =	simm.s32 $execute0_lowered;
	[smem:$0x3FD2] =	sst s25  }
0xa6: {  	s4 =	sshll.u32 s26, $0x1;
	_ =	strace $0x80000049;
	[dreg:$0x1] =	wrdreg $0xFFFFFFFF  }
0xa7: {  	s28 =	simm.s32 $_size_execute0_lowered;
	s2 =	sadd.s32 s2, s4;
	[dreg:$0x0] =	wrdreg $0x0  }
0xa8: {  	s4 =	sshll.u32 s28, $0x1;
	[dreg:$0x2] =	wrdreg s2  }
0xa9: {  	[dreg:$0x3] =	wrdreg s4  }
0xaa: {  	[dreg:$0x4] =	wrdreg $0xC0  }
0xab: {  	_ =	task [dreg:s6], $0x5FFFF  }
0xac: {  	[dreg:$0x1] =	wrdreg $0xFFFFFFFF  }
0xad: {  	[dreg:$0x0] =	wrdreg $0x60  }
0xae: {  	[dreg:$0x2] =	wrdreg s24  }
0xaf: {  	[dreg:$0x3] =	wrdreg $0x9  }
0xb0: {  	_ =	task.clear_ibuf [dreg:s6], $0x4FFFF;
	_ =	strace $0x90000049  }
0xb1: {  	s29 =	simm.s32 $0x9;
	_ =	strace $0x8000004B  }
0xb2: {  	_ =	swait.ge [sflag:s29], $0x1  }
0xb3: {  	[sflag:s29] =	ssyncadd.s32 $0xFFFFFFFF  }
0xb4: {  	_ =	strace $0x9000004B  }
0xb5: {  	_ =	sfence  }
0xb6: {  	s30 =	sld [smem:$0x0];
	_ =	sdelay $0x2  }
0xb7: {  	s31 =	sshll.u32 s1, $0xD;
	s1 =	sshrl.u32 s1, $0x2  }
0xb8: {  	s3 =	sand.u32 $0x4000, s31;
	s1 =	sadd.s32 s1, s30  }
0xb9: {  	s0 =	sor.u32 s3, s0;
	s1 =	sshll.u32 s1, $0x11  }
0xba: {  	s0 =	sor.u32 s1, s0  }
0xbb: {  	s0 =	sadd.s32 $0x8F2B, s0  }
0xbc: {  	[sflag:s0] =	ssyncadd.remote.s32 $0x1  }
0xbd: {  	_ =	sfence.sel $0xFFFF  }
0xbe: {  	[dreg:$0x0] =	wrdreg $0xFFFFFFFF;
	(pc) =	sbr.abs _section_cstart, $3  }
0xbf: {  	[dreg:$0x1] =	wrdreg $0xFFFFFFFF  }
0xc0: {  	_ =	task.clear_ibuf [dreg:s6], $0x2FFFF;
	_ =	strace $0x9FFFFFFF  }
0xc1: {  	(tm) =	ssettm $0x7FFFFFFF  }
tec
execute0_lowered:
.L_overlay_start_1:
0x0: {  	(tag) =	ssettag $0x1  }
0x1: {  	s7 =	rddreg [dreg:$0x0]  }
0x2: {  	s0 =	rddreg [dreg:$0x1];
	_ =	strace $0x8000004A  }
0x3: {  	s1 =	srdreg.scid;
	s4 =	simm.s32 $0x1;
	s9 =	simm.s32 $0x3  }
0x4: {  	s11 =	simm.s32 $0x0;
	p0 =	por $0x0, $0x0;
	s5 =	sshll.u32 s1, $0x4  }
.Ltmp0:
0x5: {  	s1 =	stileid.u32;
	s5 =	sand.u32 $0x10, s5;
	(pc) =	sbr.rel .LBB2_1-.Ltmp0, $4  }
0x6: {  	s2 =	sadd.s32 $0x248000, s7;
	s3 =	sadd.s32 $0x10000, s7;
	s6 =	sor.u32 s1, s5  }
0x7: {  	[sflag:s4] =	ssyncpa.u1 $0x0;
	s5 =	simm.s32 $0x2;
	s6 =	sshll.u32 s6, $0xA  }
0x8: {  	s7 =	sadd.s32 $0x11000, s7;
	[sflag:s5] =	ssyncpa.u1 $0x0;
	s8 =	sadd.s32 $0x400, s6  }
0x9: {  	vm0 =	vmmov $0xff;
	vm1 =	vcmask $0x3F20;
	[sflag:s9] =	ssyncpa.u1 $0x0;
	s10 =	smov.u32 s6;
	s9 =	simm.s32 $0x0  }
.LBB2_7:
0xa: {  	p1 =	slt.u32 s9, $0x2;
	s11 =	sadd.s32 $0x100, s10  }
0xb: {  	s13 =	smov.u32 s6;
	s9 =	sadd.s32 $0x1, s9;
	p2 =	slt.s32 s11, s8  }
0xc: {  	s13 =	smov.u32 @p2 s11;
	p2 =	sne.s32 s9, $0x6  }
.Ltmp1:
0xd: {  	_ = 	snop;
	(pc) =	sbr.rel @!p2 .LBB2_8-.Ltmp1, $4  }
0xe: {  	s12 =	simm.s32 @!p1 $0x3  }
0xf: {  	_ =	swait.ge @!p1 [sflag:s12], $0x8000  }
0x10: {  	p0 =	por !p0, !p0;
	[sflag:s12] =	ssyncset.done @!p1 $0x0  }
0x11: {  	s11 =	smov.u32 s10;
	s10 =	smov.u32 s13;
	[sflag:s12] =	ssyncadd.s32 @!p1 $0xFFFF8000  }
.LBB2_1:
0x12: {  	p1 =	sgt.u32 s9, $0x3  }
0x13: {  	s12 =	sxor.u32 @!p1 $0xFFFFFFFF, s9  }
0x14: {  	s13 =	sshrl.u32 @!p1 s10, $0x3;
	s12 =	sshll.u32 @!p1 s12, $0x8  }
0x15: {  	s14 =	sand.u32 @!p1 $0x7, s10;
	s13 =	sadd.s32 @!p1 s3, s13;
	s12 =	sand.u32 @!p1 $0x100, s12  }
0x16: {  	[tilespmem:s12], [sflag:$0x2] =	stream.linear.gather @!p1 [hbm4b:s13+s14], $0x100, $0x38;
	[tilespmem:$0x10200] =	vst v63  }
0x17: {  	p1 =	seq.s32 s9, $0x0  }
0x18: {  	p2 =	seq.s32 @!p1 s9, $0x5  }
0x19: {  	p1 =	por p1, p2  }
.Ltmp2:
0x1a: {  	_ = 	snop;
	(pc) =	sbr.rel @p1 .LBB2_7-.Ltmp2, $1  }
0x1b: {  	_ =	sdelay $0x3  }
0x1c: {  	s12 =	simm.s32 $0x1  }
0x1d: {  	_ =	swait.ge [sflag:s5], $0x100;
	s12 =	simm.s32 @!p0 $0x0  }
0x1e: {  	[sflag:s5] =	ssyncset.done $0x0;
	s14 =	sshll.u32 s12, $0x8  }
0x1f: {  	[sflag:s5] =	ssyncadd.s32 $0xFFFFFF00;
	s13 =	sadd.s32 $0x0, s14  }
0x20: {  	v0 =	vld.msk [tilespmem:s13+$0x0 ss:$0x1], $0xffff;
	_ =	sdelay $0x4  }
0x21: {  	v1 =	vshll.u32 v0, $0x7  }
0x22: {  	vm2 =	veq.s32 v0, $0x80000000;
	v0 =	vand.u32 $0x1FFF80, v1  }
0x23: {  	v1 =	vand.u32 $0x1E00000, v1;
	v0 =	vsel vm2, $0xFFFFFF80, v0  }
0x24: {  	v1 =	vsel vm2, $0xFFE00000, v1;
	v2 =	vand.u32 $0xFFFFFC00, v0  }
0x25: {  	v0 =	vand.u32 $0x380, v0;
	v1 =	vadd.s32 v1, v2  }
0x26: {  	v0 =	vor.u32 v0, v1  }
0x27: {  	v0 =	vshrl.u32 v0, $0x3;
	_ =	sdelay $0x2  }
0x28: {  	s12 =	sshll.u32 s12, $0xF  }
0x29: {  	s12 =	sor.u32 $0x200, s12  }
0x2a: {  	[tilespmem:s12], [sflag:$0x1] =	stream.indirect_vreg.gather [hbm:s2], $0x80, v0, vm0, $0x38;
	[tilespmem:$0x10200] =	vst v63  }
0x2b: {  	s15 =	sadd.s32 $0x10, s14;
	s13 =	sadd.s32 $0x400, s12  }
0x2c: {  	[tilespmem:s13], [sflag:$0x1] =	stream.indirect_vreg.gather [hbm:s2], $0x80, v0, vm1, $0x38;
	[tilespmem:$0x10200] =	vst v63  }
0x2d: {  	s16 =	simm.s32 $0x80;
	v0 =	vld.msk [tilespmem:s15+$0x0 ss:$0x1], $0xffff;
	s15 =	smov.u32 s12  }
.LBB2_3:
0x2e: {  	p1 =	sne.s32 s16, $0x3C0;
	_ =	sdelay $0x4  }
0x2f: {  	v1 =	vshll.u32 v0, $0x7  }
0x30: {  	vm2 =	veq.s32 v0, $0x80000000;
	v0 =	vand.u32 $0x1FFF80, v1  }
0x31: {  	v1 =	vand.u32 $0x1E00000, v1;
	v0 =	vsel vm2, $0xFFFFFF80, v0  }
0x32: {  	v1 =	vsel vm2, $0xFFE00000, v1;
	v2 =	vand.u32 $0xFFFFFC00, v0  }
0x33: {  	v0 =	vand.u32 $0x380, v0;
	v1 =	vadd.s32 v1, v2  }
0x34: {  	v0 =	vor.u32 v0, v1  }
0x35: {  	v0 =	vshrl.u32 v0, $0x3;
	_ =	sdelay $0x3  }
.Ltmp3:
0x36: {  	s17 =	sshra.s32 s16, $0x2;
	s15 =	sadd.s32 $0x800, s15;
	(pc) =	sbr.rel @p1 .LBB2_3-.Ltmp3, $4  }
0x37: {  	[tilespmem:s15], [sflag:$0x1] =	stream.indirect_vreg.gather [hbm:s2], $0x80, v0, vm0, $0x38;
	[tilespmem:$0x10200] =	vst v63  }
0x38: {  	s17 =	sadd.s32 s17, s14;
	s18 =	sadd.s32 $0x400, s15  }
0x39: {  	[tilespmem:s18], [sflag:$0x1] =	stream.indirect_vreg.gather [hbm:s2], $0x80, v0, vm1, $0x38;
	[tilespmem:$0x10200] =	vst v63  }
0x3a: {  	s16 =	sadd.s32 $0x40, s16;
	v0 =	vld.msk [tilespmem:s17+$0x0 ss:$0x1], $0xffff  }
0x3b: {  	_ =	sdelay $0x3  }
0x3c: {  	v1 =	vshll.u32 v0, $0x7  }
0x3d: {  	vm2 =	veq.s32 v0, $0x80000000;
	v63 =	vand.u32 $0x1FFF80, v1  }
0x3e: {  	v1 =	vand.u32 $0x1E00000, v1;
	v0 =	vsel vm2, $0xFFFFFF80, v63  }
0x3f: {  	v1 =	vsel vm2, $0xFFE00000, v1;
	v2 =	vand.u32 $0xFFFFFC00, v0  }
0x40: {  	v0 =	vand.u32 $0x380, v0;
	v1 =	vadd.s32 v1, v2  }
0x41: {  	v0 =	vor.u32 v0, v1  }
0x42: {  	v0 =	vshrl.u32 v0, $0x3;
	_ =	sdelay $0x3  }
0x43: {  	s14 =	sadd.s32 $0x800, s15  }
0x44: {  	[tilespmem:s14], [sflag:$0x1] =	stream.indirect_vreg.gather [hbm:s2], $0x80, v0, vm0, $0x38;
	[tilespmem:$0x10200] =	vst v63  }
0x45: {  	s14 =	sadd.s32 $0x400, s14  }
0x46: {  	[tilespmem:s14], [sflag:$0x1] =	stream.indirect_vreg.gather [hbm:s2], $0x80, v0, vm1, $0x38;
	[tilespmem:$0x10200] =	vst v63  }
0x47: {  	s11 =	sshll.u32 s11, $0x4;
	_ =	swait.ge [sflag:s4], $0x8000  }
0x48: {  	s11 =	sadd.s32 s11, s7;
	[sflag:s4] =	ssyncset.done $0x0  }
0x49: {  	s15 =	sadd.s32 $0x0, s11;
	s14 =	simm.s32 $0x80;
	[sflag:s4] =	ssyncadd.s32 $0xFFFF8000  }
.LBB2_5:
0x4a: {  	[hbm:s15] =	stream.linear.scatter [tilespmem:s12], [sflag:$0x3], $0x400, $0x38;
	[tilespmem:$0x10200] =	vst v63  }
0x4b: {  	s15 =	smov.u32 s14;
	s12 =	smov.u32 s13;
	p1 =	sne.s32 s14, $0xF80  }
.Ltmp4:
0x4c: {  	s14 =	sadd.s32 $0x80, s14;
	(pc) =	sbr.rel @p1 .LBB2_5-.Ltmp4, $2  }
0x4d: {  	_ =	sdelay $0x2  }
0x4e: {  	s13 =	sadd.s32 $0x400, s13;
	s15 =	sadd.s32 s15, s11  }
.Ltmp5:
0x4f: {  	(pc) =	sbr.rel .LBB2_7-.Ltmp5, $2  }
0x50: {  	_ =	sdelay $0x2  }
0x51: {  	[hbm:s15] =	stream.linear.scatter [tilespmem:s12], [sflag:$0x3], $0x400, $0x38;
	[tilespmem:$0x10200] =	vst v63  }
.LBB2_8:
0x52: {  	_ =	sfence.sel $0x180000  }
0x53: {  	s2 =	simm.s32 $0x2;
	[bflag:$0x0] =	sbarrier.arrive $0xFFFF  }
0x54: {  	s30 =	simm.s32 $0x3;
	[sflag:s2] =	ssyncpa.u1 $0x1  }
0x55: {  	s31 =	simm.s32 $0x1;
	[sflag:s30] =	ssyncpa.u1 $0x1  }
0x56: {  	[sflag:s31] =	ssyncpa.u1 $0x1  }
0x57: {  	p0 =	sne.s32 s1, $0x0;
	_ =	strace $0x9000004A  }
0x58: {  	s0 =	sadd.s32 @!p0 $0x100000, s0;
	[bflag:$0x2] =	sbarrier.arrive $0xFFFF  }
0x59: {  	[sflag:s0] =	ssyncadd.tile.s32 @!p0 $0x1;
	_ =	shalt  }
.Lfunc_end2:
_tile_overlayer_lowered:
.L_overlay_start_2:
0x5a: {  	(tag) =	ssettag $0x2  }
0x5b: {  	s0 =	rddreg [dreg:$0x0];
	s2 =	stileid.u32  }
0x5c: {  	s1 =	rddreg [dreg:$0x1];
	p0 =	sne.s32 s2, $0x0  }
0x5d: {  	s3 =	rddreg [dreg:$0x2];
	[bflag:$0x3] =	sbarrier.arrive $0xFFFF;
	s2 =	simm.s32 @!p0 $0x1C01  }
0x5e: {  	[timem:s3], [sflag:s2] =	dma.local @!p0 [hbm:s0], s1  }
0x5f: {  	s0 =	simm.s32 @!p0 $0x1  }
0x60: {  	_ =	swait.ge @!p0 [sflag:s0], s1  }
0x61: {  	s1 =	ssub.s32 @!p0 $0x0, s1;
	[sflag:s0] =	ssyncset.done @!p0 $0x0  }
0x62: {  	[sflag:s0] =	ssyncadd.s32 @!p0 s1  }
0x63: {  	[bflag:$0x3] =	sbarrier.arrive $0xFFFF  }
0x64: {  	_ =	shalt  }

// kernel: sparse-core-data-format-call.cloned.1.call-start
scs
called_computation_lowered:
.L_overlay_start_0:
0x0: {  	s1 =	sld [smem:$0x3FD9]  }
0x1: {  	s2 =	sld [smem:$0x3FFE];
	_ =	sdelay $0x1  }
0x2: {  	s3 =	srdreg.scid  }
0x3: {  	s0 =	sand.u32 $0x1, s3  }
0x4: {  	s17 =	sshll.u32 s0, $0xA;
	s1 =	sadd.s32 s2, s1  }
0x5: {  	s1 =	sadd.s32 s1, s17  }
0x6: {  	[smem:$0x3FBF] =	sst s1  }
0x7: {  	_ = 	snop  }
0x8: {  	(tm) =	ssettm $0x1  }
0x9: {  	s18 =	sld [smem:$0x3FFB];
	_ =	sdelay $0x3  }
0xa: {  	_ =	strace s18  }
0xb: {  	s1 =	sld [smem:$0x3FFC];
	_ =	sdelay $0x3  }
0xc: {  	_ =	strace s1  }
0xd: {  	s1 =	sld [smem:$0x3FFD];
	_ =	sdelay $0x3  }
0xe: {  	_ =	strace s1  }
0xf: {  	_ =	strace $0x8FFFFFFF  }
0x10: {  	s19 =	sld [smem:$0x3FDB];
	_ =	sdelay $0x1  }
0x11: {  	s20 =	simm.s32 $_scs_section_size  }
0x12: {  	s4 =	simm.s32 $_size__tile_overlayer_lowered;
	s5 =	simm.s32 $_tile_overlayer_lowered  }
0x13: {  	s23 =	simm.s32 $0x1BFF;
	s22 =	sshll.u32 s5, $0x1;
	s1 =	sadd.s32 s20, s19  }
0x14: {  	s6 =	simm.s32 $0x0;
	s21 =	sshll.u32 s4, $0x1;
	s4 =	sadd.s32 s22, s1  }
0x15: {  	[timem:s6], [sflag:s23] =	dma.local [hbm:s4], s21  }
0x16: {  	_ =	swait.ge [sflag:s23], s21  }
0x17: {  	s2 =	ssub.s32 $0x0, s21;
	[sflag:s23] =	ssyncset.done $0x0  }
0x18: {  	[sflag:s23] =	ssyncadd.s32 s2;
	_ =	sdelay $0x1  }
0x19: {  	s24 =	simm.s32 $0x1B8B  }
0x1a: {  	_ =	swait.ge [sflag:s24], $0x1  }
0x1b: {  	[sflag:s24] =	ssyncset.done $0x0  }
0x1c: {  	s26 =	simm.s32 $0x1B8E;
	s25 =	sld [smem:$0x3FFE];
	[sflag:s24] =	ssyncadd.s32 $0xFFFFFFFF  }
0x1d: {  	s27 =	simm.s32 $execute0_lowered;
	[smem:$0x3FD2] =	sst s26  }
0x1e: {  	s4 =	sshll.u32 s27, $0x1;
	_ =	strace $0x80000046;
	[dreg:$0x1] =	wrdreg $0xFFFFFFFF  }
0x1f: {  	s28 =	simm.s32 $_size_execute0_lowered;
	s1 =	sadd.s32 s1, s4;
	[dreg:$0x0] =	wrdreg $0x0  }
0x20: {  	s4 =	sshll.u32 s28, $0x1;
	[dreg:$0x2] =	wrdreg s1  }
0x21: {  	[dreg:$0x3] =	wrdreg s4  }
0x22: {  	[dreg:$0x4] =	wrdreg $0xC0  }
0x23: {  	_ =	task [dreg:s6], $0x5FFFF  }
0x24: {  	[dreg:$0x1] =	wrdreg $0xFFFFFFFF  }
0x25: {  	[dreg:$0x0] =	wrdreg $0x60  }
0x26: {  	[dreg:$0x2] =	wrdreg s25  }
0x27: {  	[dreg:$0x3] =	wrdreg $0x9  }
0x28: {  	_ =	task.clear_ibuf [dreg:s6], $0x4FFFF;
	_ =	strace $0x90000046  }
0x29: {  	s29 =	simm.s32 $0x9;
	_ =	strace $0x80000048  }
0x2a: {  	_ =	swait.ge [sflag:s29], $0x1  }
0x2b: {  	[sflag:s29] =	ssyncadd.s32 $0xFFFFFFFF  }
0x2c: {  	_ =	strace $0x90000048  }
0x2d: {  	_ =	sfence  }
0x2e: {  	s30 =	sld [smem:$0x0];
	_ =	sdelay $0x2  }
0x2f: {  	s31 =	sshll.u32 s3, $0xD;
	s3 =	sshrl.u32 s3, $0x2  }
0x30: {  	s2 =	sand.u32 $0x4000, s31;
	s1 =	sadd.s32 s3, s30  }
0x31: {  	s0 =	sor.u32 s2, s0;
	s1 =	sshll.u32 s1, $0x11  }
0x32: {  	s0 =	sor.u32 s1, s0  }
0x33: {  	s0 =	sadd.s32 $0x8F2B, s0  }
0x34: {  	[sflag:s0] =	ssyncadd.remote.s32 $0x1  }
0x35: {  	_ =	sfence.sel $0xFFFF  }
0x36: {  	[dreg:$0x0] =	wrdreg $0xFFFFFFFF;
	(pc) =	sbr.abs _section_cstart, $3  }
0x37: {  	[dreg:$0x1] =	wrdreg $0xFFFFFFFF  }
0x38: {  	_ =	task.clear_ibuf [dreg:s6], $0x2FFFF;
	_ =	strace $0x9FFFFFFF  }
0x39: {  	(tm) =	ssettm $0x7FFFFFFF  }
tec
execute0_lowered:
.L_overlay_start_1:
0x0: {  	(tag) =	ssettag $0x1  }
0x1: {  	s0 =	srdreg.scid  }
0x2: {  	s1 =	sshll.u32 s0, $0x4  }
0x3: {  	s0 =	stileid.u32;
	s1 =	sand.u32 $0x10, s1  }
0x4: {  	s6 =	rddreg [dreg:$0x0];
	s4 =	simm.s32 $0x1;
	s1 =	sor.u32 s0, s1  }
0x5: {  	s7 =	simm.s32 $0x2;
	s15 =	simm.s32 $0x0;
	s2 =	sshll.u32 s1, $0x8  }
0x6: {  	s8 =	simm.s32 $0x80;
	s13 =	simm.s32 $0x0;
	s3 =	ssub.s32 $0x4000, s2  }
0x7: {  	s14 =	simm.s32 $0x0;
	s10 =	simm.s32 $0x0;
	s31 =	sand.u32 $0x1F00, s3  }
0x8: {  	s11 =	simm.s32 $0x0;
	s1 =	rddreg [dreg:$0x1];
	p0 =	sne.s32 s31, $0x0  }
.Ltmp0:
0x9: {  	s5 =	sshrl.u32 s3, $0xD;
	s4 =	simm.s32 @!p0 $0x0;
	(pc) =	sbr.rel .LBB1_1-.Ltmp0, $4  }
0xa: {  	_ =	strace $0x80000047;
	s3 =	simm.s32 $0x1;
	s4 =	sadd.s32 s4, s5  }
0xb: {  	s12 =	simm.s32 $0x0;
	[sflag:s3] =	ssyncpa.u1 $0x0;
	s4 =	smul.u32 $0x9, s4  }
0xc: {  	s9 =	smov.u32 s2;
	[sflag:s7] =	ssyncpa.u1 $0x0;
	p0 =	por $0x0, $0x0  }
0xd: {  	s5 =	sadd.s32 $0x128000, s6;
	s6 =	sadd.s32 $0x248000, s6;
	s7 =	sadd.s32 $0x1, s4  }
.LBB1_4:
0xe: {  	_ = 	snop  }
0xf: {  	[tilespmem:s20+$0x1860 ss:$0x41] =	vst.msk $0xffff, v8  }
0x10: {  	[tilespmem:s20+$0x1C70 ss:$0x41] =	vst.msk $0xffff, v7  }
0x11: {  	[tilespmem:s20+$0x2490 ss:$0x41] =	vst.msk $0xffff, v1  }
0x12: {  	s23 =	sor.u32 s26, s25;
	v47 =	vld.idx.msk [tilespmem:v0+s18+$0x470 ss:$0x1], $0xffff;
	[tilespmem:s20+$0x28A0 ss:$0x41] =	vst.msk $0xffff, v2  }
0x13: {  	[tilespmem:s20+$0x2CB0 ss:$0x41] =	vst.msk $0xffff, v3;
	v57 =	vld.idx.msk [tilespmem:v0+s23+$0x410 ss:$0x1], $0xffff  }
0x14: {  	[tilespmem:s20+$0x30C0 ss:$0x41] =	vst.msk $0xffff, v4;
	v58 =	vld.idx.msk [tilespmem:v0+s23+$0x420 ss:$0x1], $0xffff  }
0x15: {  	[tilespmem:s20+$0x34D0 ss:$0x41] =	vst.msk $0xffff, v5;
	v59 =	vld.idx.msk [tilespmem:v0+s23+$0x430 ss:$0x1], $0xffff  }
0x16: {  	s27 =	sshra.s32 s21, $0x2;
	[tilespmem:s20+$0x38E0 ss:$0x41] =	vst.msk $0xffff, v6;
	v60 =	vld.idx.msk [tilespmem:v0+s23+$0x440 ss:$0x1], $0xffff  }
0x17: {  	s24 =	sand.u32 $0x3B00, s23;
	s18 =	sadd.s32 s27, s19;
	v61 =	vld.idx.msk [tilespmem:v0+s23+$0x450 ss:$0x1], $0xffff;
	[tilespmem:s20+$0x3CF0 ss:$0x41] =	vst.msk $0xffff, v47  }
0x18: {  	s22 =	sand.u32 $0x80, s22;
	v62 =	vld.idx.msk [tilespmem:v0+s23+$0x460 ss:$0x1], $0xffff;
	s17 =	sadd.s32 s24, s17;
	[tilespmem:s18+$0x2490 ss:$0x41] =	vst.msk $0xffff, v57  }
0x19: {  	v63 =	vld.idx.msk [tilespmem:v0+s23+$0x470 ss:$0x1], $0xffff;
	s17 =	sadd.s32 s22, s17;
	[tilespmem:s18+$0x28A0 ss:$0x41] =	vst.msk $0xffff, v58  }
0x1a: {  	v48 =	vld [tilespmem:s17+$0x400];
	[tilespmem:s18+$0x2CB0 ss:$0x41] =	vst.msk $0xffff, v59  }
0x1b: {  	v49 =	vld [tilespmem:s17+$0x0];
	[tilespmem:s18+$0x30C0 ss:$0x41] =	vst.msk $0xffff, v60  }
0x1c: {  	v50 =	vld [tilespmem:s17+$0x10];
	[tilespmem:s18+$0x34D0 ss:$0x41] =	vst.msk $0xffff, v61  }
0x1d: {  	v51 =	vld [tilespmem:s17+$0x20];
	[tilespmem:s18+$0x38E0 ss:$0x41] =	vst.msk $0xffff, v62  }
0x1e: {  	v52 =	vld [tilespmem:s17+$0x30];
	[tilespmem:s18+$0x3CF0 ss:$0x41] =	vst.msk $0xffff, v63  }
0x1f: {  	v53 =	vld [tilespmem:s17+$0x40];
	[tilespmem:s18+$0x2080 ss:$0x41] =	vst.msk $0xffff, v48  }
0x20: {  	v54 =	vld [tilespmem:s17+$0x50];
	[tilespmem:s18+$0x0 ss:$0x41] =	vst.msk $0xffff, v49  }
0x21: {  	s15 =	sshll.u32 s15, $0x7;
	s28 =	sshll.u32 s13, $0x3;
	v55 =	vld [tilespmem:s17+$0x60];
	[tilespmem:s18+$0x410 ss:$0x41] =	vst.msk $0xffff, v50  }
0x22: {  	s29 =	sand.u32 $0x1FFC00, s15;
	v56 =	vld [tilespmem:s17+$0x70];
	s17 =	sand.u32 $0x1FFC00, s28;
	[tilespmem:s18+$0x820 ss:$0x41] =	vst.msk $0xffff, v51  }
0x23: {  	s14 =	sshll.u32 s14, $0x12;
	s15 =	sand.u32 $0x380, s15;
	s17 =	sadd.s32 s17, s29;
	[tilespmem:s18+$0xC30 ss:$0x41] =	vst.msk $0xffff, v52  }
0x24: {  	s30 =	sshrl.u32 s13, $0x3;
	s31 =	sand.u32 $0x7, s13;
	s15 =	sor.u32 s15, s17;
	[tilespmem:s18+$0x1040 ss:$0x41] =	vst.msk $0xffff, v53  }
0x25: {  	s14 =	sadd.s32 s6, s14;
	s17 =	sand.u32 $0xF, s30;
	s15 =	sshrl.u32 s15, $0x3;
	[tilespmem:s18+$0x1450 ss:$0x41] =	vst.msk $0xffff, v54  }
0x26: {  	s13 =	sshll.u32 s31, $0x12;
	s14 =	sadd.s32 s17, s14;
	s15 =	sand.u32 $0x3FFF0, s15;
	[tilespmem:s18+$0x1860 ss:$0x41] =	vst.msk $0xffff, v55  }
0x27: {  	s13 =	sor.u32 $0x40, s13;
	[tilespmem:s18+$0x1C70 ss:$0x41] =	vst.msk $0xffff, v56;
	s14 =	sadd.s32 s15, s14  }
0x28: {  	[hbm4b:s14+s13] =	stream.strided.scatter [tilespmem:s16], [sflag:$0x2], $0x4000, s8, s13, $0x18;
	[tilespmem:$0x10200] =	vst v63  }
.LBB1_5:
0x29: {  	s16 =	sadd.s32 $0x2000, s9  }
0x2a: {  	s13 =	sadd.s32 $0x40, s10;
	s17 =	smov.u32 s10;
	p2 =	sgt.s32 s16, $0x3FFF  }
0x2b: {  	s17 =	smov.u32 @p2 s13  }
0x2c: {  	s13 =	simm.s32 $0x1;
	p3 =	sgt.s32 s17, $0x3F  }
0x2d: {  	s13 =	simm.s32 @!p3 $0x0  }
0x2e: {  	s19 =	sadd.s32 s13, s11  }
0x2f: {  	s16 =	smov.u32 @p2 s2;
	p2 =	sgt.s32 s19, $0x8  }
0x30: {  	p1 =	slt.u32 s12, $0x2;
	s19 =	simm.s32 @p2 $0x0;
	p2 =	sne.s32 s12, s7  }
.Ltmp1:
0x31: {  	s18 =	simm.s32 @!p1 $0x2;
	(pc) =	sbr.rel @!p2 .LBB1_6-.Ltmp1, $4  }
0x32: {  	s15 =	smov.u32 s9;
	s14 =	smov.u32 s11;
	_ =	swait.ge @!p1 [sflag:s18], $0x4000  }
0x33: {  	p0 =	por !p0, !p0;
	[sflag:s18] =	ssyncset.done @!p1 $0x0;
	s9 =	smov.u32 s16  }
0x34: {  	s17 =	simm.s32 @p3 $0x0;
	[sflag:s18] =	ssyncadd.s32 @!p1 $0xFFFFC000;
	s13 =	smov.u32 s10  }
0x35: {  	s10 =	smov.u32 s17;
	s12 =	sadd.s32 $0x1, s12;
	s11 =	smov.u32 s19  }
.LBB1_1:
0x36: {  	p1 =	sge.u32 s12, s4;
	s31 =	sadd.s32 $0xFFFFFFFF, s12  }
0x37: {  	s16 =	sxor.u32 @!p1 $0xFFFFFFFF, s12;
	s17 =	sand.u32 @!p1 $0x78, s9;
	s18 =	sshll.u32 @!p1 s10, $0xE  }
0x38: {  	s19 =	sshll.u32 @!p1 s10, $0x7;
	s20 =	sshll.u32 @!p1 s9, $0x3;
	s16 =	sshll.u32 @!p1 s16, $0xE  }
0x39: {  	s18 =	sand.u32 @!p1 $0xE0000, s18;
	s19 =	sand.u32 @!p1 $0x380, s19;
	s16 =	sand.u32 @!p1 $0x4000, s16  }
0x3a: {  	s18 =	sadd.s32 @!p1 s18, s20;
	s20 =	sand.u32 @!p1 $0x3C00, s20;
	s17 =	sor.u32 @!p1 s19, s17  }
0x3b: {  	s19 =	sshll.u32 @!p1 s11, $0x11;
	s17 =	sor.u32 @!p1 s20, s17;
	s18 =	sshrl.u32 @!p1 s18, $0x3  }
0x3c: {  	s19 =	sadd.s32 @!p1 s5, s19;
	s20 =	sand.u32 @!p1 $0x7, s9;
	s18 =	sand.u32 @!p1 $0x1F800, s18  }
0x3d: {  	s17 =	sshrl.u32 @!p1 s17, $0x3;
	s18 =	sadd.s32 @!p1 s18, s19;
	s19 =	sshll.u32 @!p1 s20, $0x12  }
0x3e: {  	s17 =	sadd.s32 @!p1 s17, s18;
	s18 =	sor.u32 @!p1 $0x800, s19;
	s19 =	simm.s32 @!p1 $0x20000  }
0x3f: {  	[tilespmem:s16], [sflag:$0x1] =	stream.strided.gather @!p1 [hbm4b:s17+s18], $0x4000, s19, s18, $0x38;
	[tilespmem:$0x10200] =	vst v63  }
0x40: {  	p1 =	sge.u32 s31, s4  }
.Ltmp2:
0x41: {  	_ = 	snop;
	(pc) =	sbr.rel @p1 .LBB1_5-.Ltmp2, $1  }
0x42: {  	_ =	sdelay $0x3  }
0x43: {  	s19 =	simm.s32 $0x0  }
0x44: {  	s18 =	sand.u32 $0x3800, s19;
	s20 =	sand.u32 $0x380, s19  }
0x45: {  	s16 =	sand.u32 $0x1, s12;
	s18 =	sor.u32 s20, s18  }
0x46: {  	_ =	swait.ge [sflag:s3], $0x4000;
	s17 =	sshll.u32 s16, $0xE;
	s20 =	sand.u32 $0x3B00, s18  }
0x47: {  	[sflag:s3] =	ssyncset.done $0x0;
	s19 =	sand.u32 $0x80, s19;
	s20 =	sadd.s32 s20, s17  }
0x48: {  	[sflag:s3] =	ssyncadd.s32 $0xFFFFC000;
	s22 =	sadd.s32 s19, s20  }
0x49: {  	v4 =	vld [tilespmem:s22+$0x400]  }
0x4a: {  	s21 =	simm.s32 $0x1;
	v5 =	vld [tilespmem:s22+$0x0]  }
0x4b: {  	s21 =	simm.s32 @!p0 $0x0;
	v6 =	vld [tilespmem:s22+$0x10]  }
0x4c: {  	v0 =	vmov s17;
	s31 =	smul.u32 $0x10400, s21;
	v7 =	vld [tilespmem:s22+$0x20]  }
0x4d: {  	v9 =	vld [tilespmem:s22+$0x30]  }
0x4e: {  	s19 =	sshrl.u32 s31, $0x2;
	v10 =	vld [tilespmem:s22+$0x40]  }
0x4f: {  	s19 =	sor.u32 $0x8000, s19;
	v11 =	vld [tilespmem:s22+$0x50]  }
0x50: {  	v8 =	vld [tilespmem:s22+$0x60];
	s20 =	sadd.s32 $0x0, s19  }
0x51: {  	v1 =	vld.idx.msk [tilespmem:v0+s18+$0x410 ss:$0x1], $0xffff;
	[tilespmem:s20+$0x2080 ss:$0x41] =	vst.msk $0xffff, v4  }
0x52: {  	v2 =	vld.idx.msk [tilespmem:v0+s18+$0x420 ss:$0x1], $0xffff;
	[tilespmem:s20+$0x0 ss:$0x41] =	vst.msk $0xffff, v5  }
0x53: {  	v3 =	vld.idx.msk [tilespmem:v0+s18+$0x430 ss:$0x1], $0xffff;
	[tilespmem:s20+$0x410 ss:$0x41] =	vst.msk $0xffff, v6  }
0x54: {  	s16 =	smul.u32 $0x10400, s16;
	[tilespmem:s20+$0x820 ss:$0x41] =	vst.msk $0xffff, v7;
	v7 =	vld [tilespmem:s22+$0x70]  }
0x55: {  	s23 =	simm.s32 $0x100;
	s24 =	simm.s32 $0x8;
	[tilespmem:s20+$0xC30 ss:$0x41] =	vst.msk $0xffff, v9;
	v4 =	vld.idx.msk [tilespmem:v0+s18+$0x440 ss:$0x1], $0xffff  }
0x56: {  	s25 =	sand.u32 $0x3800, s23;
	s16 =	sshrl.u32 s16, $0x2;
	[tilespmem:s20+$0x1040 ss:$0x41] =	vst.msk $0xffff, v10;
	v5 =	vld.idx.msk [tilespmem:v0+s18+$0x450 ss:$0x1], $0xffff;
	s22 =	simm.s32 $0x80  }
0x57: {  	s21 =	simm.s32 $0x4;
	s16 =	sor.u32 $0x8000, s16;
	[tilespmem:s20+$0x1450 ss:$0x41] =	vst.msk $0xffff, v11;
	v6 =	vld.idx.msk [tilespmem:v0+s18+$0x460 ss:$0x1], $0xffff;
	s26 =	sand.u32 $0x380, s22  }
.LBB1_3:
0x58: {  	p1 =	sne.s32 s24, $0xFC;
	[tilespmem:s20+$0x1860 ss:$0x41] =	vst.msk $0xffff, v8;
	v8 =	vld.idx.msk [tilespmem:v0+s18+$0x470 ss:$0x1], $0xffff;
	s18 =	sor.u32 s26, s25  }
0x59: {  	s25 =	sand.u32 $0x3B00, s18;
	v9 =	vld.idx.msk [tilespmem:v0+s18+$0x410 ss:$0x1], $0xffff;
	[tilespmem:s20+$0x1C70 ss:$0x41] =	vst.msk $0xffff, v7  }
0x5a: {  	s26 =	sand.u32 $0x80, s22;
	s25 =	sadd.s32 s25, s17;
	v7 =	vld.idx.msk [tilespmem:v0+s18+$0x420 ss:$0x1], $0xffff;
	[tilespmem:s20+$0x2490 ss:$0x41] =	vst.msk $0xffff, v1  }
0x5b: {  	s25 =	sadd.s32 s26, s25;
	v10 =	vld.idx.msk [tilespmem:v0+s18+$0x430 ss:$0x1], $0xffff;
	[tilespmem:s20+$0x28A0 ss:$0x41] =	vst.msk $0xffff, v2  }
0x5c: {  	v11 =	vld [tilespmem:s25+$0x400];
	[tilespmem:s20+$0x2CB0 ss:$0x41] =	vst.msk $0xffff, v3  }
0x5d: {  	v12 =	vld [tilespmem:s25+$0x0];
	[tilespmem:s20+$0x30C0 ss:$0x41] =	vst.msk $0xffff, v4  }
0x5e: {  	v4 =	vld [tilespmem:s25+$0x10];
	[tilespmem:s20+$0x34D0 ss:$0x41] =	vst.msk $0xffff, v5  }
0x5f: {  	s26 =	sshra.s32 s21, $0x2;
	s21 =	smov.u32 s24;
	v1 =	vmov v9;
	v5 =	vld [tilespmem:s25+$0x20];
	[tilespmem:s20+$0x38E0 ss:$0x41] =	vst.msk $0xffff, v6  }
0x60: {  	v2 =	vmov v7;
	v6 =	vld [tilespmem:s25+$0x30];
	[tilespmem:s20+$0x3CF0 ss:$0x41] =	vst.msk $0xffff, v8;
	s20 =	sadd.s32 s26, s19  }
0x61: {  	v3 =	vmov v10;
	v9 =	vld [tilespmem:s25+$0x40];
	[tilespmem:s20+$0x2080 ss:$0x41] =	vst.msk $0xffff, v11  }
0x62: {  	[tilespmem:s20+$0x0 ss:$0x41] =	vst.msk $0xffff, v12;
	v10 =	vld [tilespmem:s25+$0x50]  }
.Ltmp3:
0x63: {  	[tilespmem:s20+$0x410 ss:$0x41] =	vst.msk $0xffff, v4;
	v8 =	vld [tilespmem:s25+$0x60];
	(pc) =	sbr.rel @p1 .LBB1_3-.Ltmp3, $4  }
0x64: {  	[tilespmem:s20+$0x820 ss:$0x41] =	vst.msk $0xffff, v5;
	v7 =	vld [tilespmem:s25+$0x70]  }
0x65: {  	[tilespmem:s20+$0xC30 ss:$0x41] =	vst.msk $0xffff, v6;
	v4 =	vld.idx.msk [tilespmem:v0+s18+$0x440 ss:$0x1], $0xffff  }
0x66: {  	s22 =	sadd.s32 $0x80, s22;
	s23 =	sadd.s32 $0x100, s23;
	[tilespmem:s20+$0x1040 ss:$0x41] =	vst.msk $0xffff, v9;
	v5 =	vld.idx.msk [tilespmem:v0+s18+$0x450 ss:$0x1], $0xffff  }
0x67: {  	s24 =	sadd.s32 $0x4, s24;
	s26 =	sand.u32 $0x380, s22;
	s25 =	sand.u32 $0x3800, s23;
	[tilespmem:s20+$0x1450 ss:$0x41] =	vst.msk $0xffff, v10;
	v6 =	vld.idx.msk [tilespmem:v0+s18+$0x460 ss:$0x1], $0xffff  }
.Ltmp4:
0x68: {  	_ = 	snop;
	(pc) =	sbr.rel .LBB1_4-.Ltmp4, $1  }
0x69: {  	_ =	sdelay $0x3  }
.LBB1_6:
0x6a: {  	_ =	sfence.sel $0x180000  }
0x6b: {  	s2 =	simm.s32 $0x1;
	[bflag:$0x0] =	sbarrier.arrive $0xFFFF  }
0x6c: {  	s31 =	simm.s32 $0x2;
	[sflag:s2] =	ssyncpa.u1 $0x1  }
0x6d: {  	[sflag:s31] =	ssyncpa.u1 $0x1  }
0x6e: {  	p0 =	sne.s32 s0, $0x0;
	_ =	strace $0x90000047  }
0x6f: {  	s0 =	sadd.s32 @!p0 $0x100000, s1;
	[bflag:$0x2] =	sbarrier.arrive $0xFFFF  }
0x70: {  	[sflag:s0] =	ssyncadd.tile.s32 @!p0 $0x1;
	_ =	shalt  }
.Lfunc_end1:
_tile_overlayer_lowered:
.L_overlay_start_2:
0x71: {  	(tag) =	ssettag $0x2  }
0x72: {  	s0 =	rddreg [dreg:$0x0];
	s2 =	stileid.u32  }
0x73: {  	s1 =	rddreg [dreg:$0x1];
	p0 =	sne.s32 s2, $0x0  }
0x74: {  	s3 =	rddreg [dreg:$0x2];
	[bflag:$0x3] =	sbarrier.arrive $0xFFFF;
	s2 =	simm.s32 @!p0 $0x1C01  }
0x75: {  	[timem:s3], [sflag:s2] =	dma.local @!p0 [hbm:s0], s1  }
0x76: {  	s0 =	simm.s32 @!p0 $0x1  }
0x77: {  	_ =	swait.ge @!p0 [sflag:s0], s1  }
0x78: {  	s1 =	ssub.s32 @!p0 $0x0, s1;
	[sflag:s0] =	ssyncset.done @!p0 $0x0  }
0x79: {  	[sflag:s0] =	ssyncadd.s32 @!p0 s1  }
0x7a: {  	[bflag:$0x3] =	sbarrier.arrive $0xFFFF  }
0x7b: {  	_ =	shalt  }

</sc_bundles>
